<compile_context>
chip_gen: v7x
topology: tpu7x:2x2x1
jax: 0.10.2.dev20260603
libtpu: 0.0.44.dev20260713+nightly
codegen_flags: <defaults>
</compile_context>

<pallas_src>
import functools
import math

import jax
import jax.numpy as jnp
from jax import lax
from jax.experimental import pallas as pl
from jax.experimental.pallas import tpu as pltpu
from jax.experimental.pallas import tpu_sc as plsc

VOCAB_N = 100000
DMODEL = 512
SCALE = float(math.sqrt(DMODEL))

NUM_CORES = 2
NUM_SUBCORES = 16
NW = NUM_CORES * NUM_SUBCORES

B_TOTAL = 4096 * 50
B_PER_W = B_TOTAL // NW
CHUNK = 64
NCHUNK = B_PER_W // CHUNK
NBUF = 3
NROUND = (NCHUNK + NBUF - 1) // NBUF
LANES = 16
VECS_PER_ROW = DMODEL // LANES


def _body(x_hbm, table_hbm, out_hbm, idx_v, *scratch):
    wid = lax.axis_index("s") * NUM_CORES + lax.axis_index("c")
    pltpu.sync_copy(x_hbm.at[wid], idx_v)
    row_base = wid * B_PER_W
    buf = scratch[:NBUF]
    gsem = scratch[NBUF:2 * NBUF]
    osem = scratch[2 * NBUF:]

    def g_src(c):
        return table_hbm.at[idx_v.at[c]]

    def o_dst(c):
        return out_hbm.at[pl.ds(row_base + c * CHUNK, CHUNK)]

    for p in range(NBUF - 1):
        pltpu.async_copy(g_src(p), buf[p], gsem[p])

    def outer(rnd, carry):
        for u in range(NBUF):
            c = NBUF * rnd + u

            @pl.when((c >= 1) & (c + NBUF - 1 < NCHUNK))
            def _drain_out():
                b2 = (u + NBUF - 1) % NBUF
                pltpu.make_async_copy(buf[b2], o_dst(c - 1), osem[b2]).wait()

            @pl.when(c + NBUF - 1 < NCHUNK)
            def _start_ahead():
                b2 = (u + NBUF - 1) % NBUF
                pltpu.async_copy(g_src(c + NBUF - 1), buf[b2], gsem[b2])

            @pl.when(c < NCHUNK)
            def _process():
                pltpu.make_async_copy(g_src(c), buf[u], gsem[u]).wait()

                def row_body(r, acc):
                    for v in range(VECS_PER_ROW):
                        sl = (r, pl.ds(v * LANES, LANES))
                        buf[u][sl] = buf[u][sl] * SCALE
                    return acc

                lax.fori_loop(0, CHUNK, row_body, 0)
                pltpu.async_copy(buf[u], o_dst(c), osem[u])
        return carry

    lax.fori_loop(0, NROUND, outer, 0)
    for c in range(NCHUNK - NBUF, NCHUNK):
        pltpu.make_async_copy(buf[c % NBUF], o_dst(c), osem[c % NBUF]).wait()


@jax.jit
def _lookup(xf, table):
    mesh = plsc.VectorSubcoreMesh(core_axis_name="c", subcore_axis_name="s")
    k = functools.partial(
        pl.kernel,
        mesh=mesh,
        out_type=jax.ShapeDtypeStruct((B_TOTAL, DMODEL), jnp.float32),
        scratch_types=(
            [pltpu.VMEM((NCHUNK, CHUNK), jnp.int32)]
            + [pltpu.VMEM((CHUNK, DMODEL), jnp.float32)] * NBUF
            + [pltpu.SemaphoreType.DMA] * (2 * NBUF)
        ),
    )(_body)
    return k(xf, table)


def kernel(x, table):
    batch, seq = x.shape
    xf = x.T.reshape(NW, NCHUNK, CHUNK).astype(jnp.int32)
    out = _lookup(xf, table)
    return out.reshape(seq, batch, DMODEL).transpose(1, 0, 2)

# --- scband reference (transcript-rebuilt; emitter-appended) ---
"""Pipeline reference for scband-embeddings-31275951849573 (READ-ONLY COPY).

The authoritative reference and input builder live on the scoring server;
editing this copy changes nothing except your own understanding.
"""

import jax, jax.numpy as jnp
import numpy as np
import math

VOCAB = 100000
D_MODEL = 512

def setup_inputs(seed: int = 0) -> dict:
    key = jax.random.key(seed)
    k1, k2 = jax.random.split(key)
    x = jax.random.randint(k1, (4096, 50), 0, VOCAB, dtype=jnp.int64 if jax.config.jax_enable_x64 else jnp.int32)
    # nn.Embedding default init: N(0, 1)
    table = jax.random.normal(k2, (VOCAB, D_MODEL), dtype=jnp.float32)
    return {"x": x, "table": table}

def reference(x, table):
    # Embeddings.forward: self.embedding(x) * sqrt(d_model)
    emb = jnp.take(table, x, axis=0)
    return emb * math.sqrt(D_MODEL)

if __name__ == "__main__":
    import jax
    _d = setup_inputs()
    print(jax.jit(kernel)(*tuple(_d.values())))

</pallas_src>

<mosaic_0001>
#map = affine_map<(d0, d1) -> (0, 0, 0)>
#map1 = affine_map<(d0, d1) -> (0, 0)>
module attributes {stable_mosaic.version = 14 : i64} {
  func.func @_body(%arg0: i32, %arg1: i32, %arg2: memref<32x100x64xi32, #tpu.memory_space<hbm>>, %arg3: memref<100000x512xf32, #tpu.memory_space<hbm>>, %arg4: memref<204800x512xf32, #tpu.memory_space<hbm>>, %arg5: memref<100x64xi32, #tpu.memory_space<vmem>>, %arg6: memref<64x512xf32, #tpu.memory_space<vmem>>, %arg7: memref<64x512xf32, #tpu.memory_space<vmem>>, %arg8: memref<64x512xf32, #tpu.memory_space<vmem>>, %arg9: memref<!tpu.dma_semaphore, #tpu.memory_space<semaphore_mem>>, %arg10: memref<!tpu.dma_semaphore, #tpu.memory_space<semaphore_mem>>, %arg11: memref<!tpu.dma_semaphore, #tpu.memory_space<semaphore_mem>>, %arg12: memref<!tpu.dma_semaphore, #tpu.memory_space<semaphore_mem>>, %arg13: memref<!tpu.dma_semaphore, #tpu.memory_space<semaphore_mem>>, %arg14: memref<!tpu.dma_semaphore, #tpu.memory_space<semaphore_mem>>) attributes {dimension_semantics = [#tpu.dimension_semantics<core_parallel>, #tpu.dimension_semantics<subcore_parallel>], iteration_bounds = array<i64: 2, 16>, scalar_prefetch = 0 : i64, scratch_operands = 10 : i64, tpu.core_type = #tpu.core_type<sc_vector_subcore>, window_params = [{transform_indices = #map}, {transform_indices = #map1}, {transform_indices = #map1}]} {
    %mul3A = arith.constant 2 : i32
    %mul3A_0 = arith.muli %arg1, %mul3A : i32
    %add3A = arith.addi %mul3A_0, %arg0 : i32
    "tpu.region"() ({
      %run_scoped3A = tpu.sem_alloc : memref<!tpu.dma_semaphore, #tpu.memory_space<semaphore_mem>>
      %dma_start3A_38 = arith.constant 0 : i32
      %dma_start3A_39 = arith.constant 0 : i32
      %dma_start3A_40 = tpu.memref_slice %arg2[%add3A, %dma_start3A_38, %dma_start3A_39] : memref<32x100x64xi32, #tpu.memory_space<hbm>> -> memref<1x100x64xi32, #tpu.memory_space<hbm>>
      %dma_start3A_41 = tpu.memref_squeeze %dma_start3A_40 : memref<1x100x64xi32, #tpu.memory_space<hbm>> -> memref<100x64xi32, #tpu.memory_space<hbm>>
      %dma_start3A_42 = arith.constant 0 : i32
      %dma_start3A_43 = arith.constant 0 : i32
      %dma_start3A_44 = tpu.memref_slice %arg2[%add3A, %dma_start3A_42, %dma_start3A_43] : memref<32x100x64xi32, #tpu.memory_space<hbm>> -> memref<1x100x64xi32, #tpu.memory_space<hbm>>
      %dma_start3A_45 = tpu.memref_squeeze %dma_start3A_44 : memref<1x100x64xi32, #tpu.memory_space<hbm>> -> memref<100x64xi32, #tpu.memory_space<hbm>>
      tpu.enqueue_dma source(%dma_start3A_45 : memref<100x64xi32, #tpu.memory_space<hbm>>) target(%arg5 : memref<100x64xi32, #tpu.memory_space<vmem>>) target_semaphore(%run_scoped3A : memref<!tpu.dma_semaphore, #tpu.memory_space<semaphore_mem>>)
      %dma_wait3A_46 = arith.constant 0 : i32
      %dma_wait3A_47 = arith.constant 0 : i32
      %dma_wait3A_48 = tpu.memref_slice %arg2[%add3A, %dma_wait3A_46, %dma_wait3A_47] : memref<32x100x64xi32, #tpu.memory_space<hbm>> -> memref<1x100x64xi32, #tpu.memory_space<hbm>>
      %dma_wait3A_49 = tpu.memref_squeeze %dma_wait3A_48 : memref<1x100x64xi32, #tpu.memory_space<hbm>> -> memref<100x64xi32, #tpu.memory_space<hbm>>
      %dma_wait3A_50 = arith.constant 0 : i32
      %dma_wait3A_51 = arith.constant 0 : i32
      %dma_wait3A_52 = tpu.memref_slice %arg2[%add3A, %dma_wait3A_50, %dma_wait3A_51] : memref<32x100x64xi32, #tpu.memory_space<hbm>> -> memref<1x100x64xi32, #tpu.memory_space<hbm>>
      %dma_wait3A_53 = tpu.memref_squeeze %dma_wait3A_52 : memref<1x100x64xi32, #tpu.memory_space<hbm>> -> memref<100x64xi32, #tpu.memory_space<hbm>>
      tpu.wait_dma2 semaphore(%run_scoped3A : memref<!tpu.dma_semaphore, #tpu.memory_space<semaphore_mem>>) src(%dma_wait3A_53 : memref<100x64xi32, #tpu.memory_space<hbm>>) dst(%arg5 : memref<100x64xi32, #tpu.memory_space<vmem>>)
      tpu.yield
    }) : () -> ()
    %mul3A_1 = arith.constant 6400 : i32
    %mul3A_2 = arith.muli %add3A, %mul3A_1 : i32
    %dma_start3A = arith.constant 0 : i32
    %dma_start3A_3 = arith.constant 0 : i32
    %dma_start3A_4 = tpu.memref_slice %arg5[%dma_start3A, %dma_start3A_3] : memref<100x64xi32, #tpu.memory_space<vmem>> -> memref<1x64xi32, #tpu.memory_space<vmem>>
    %dma_start3A_5 = tpu.memref_squeeze %dma_start3A_4 : memref<1x64xi32, #tpu.memory_space<vmem>> -> memref<64xi32, #tpu.memory_space<vmem>>
    %dma_start3A_6 = arith.constant 0 : i32
    %dma_start3A_7 = arith.constant 0 : i32
    %dma_start3A_8 = tpu.memref_slice %arg3[%dma_start3A_6, %dma_start3A_7] : memref<100000x512xf32, #tpu.memory_space<hbm>> -> memref<100000x512xf32, #tpu.memory_space<hbm>>
    tpu.enqueue_indirect_dma source(%dma_start3A_8 : memref<100000x512xf32, #tpu.memory_space<hbm>>) target(%arg6 : memref<64x512xf32, #tpu.memory_space<vmem>>) offsets(%dma_start3A_5 : memref<64xi32, #tpu.memory_space<vmem>>) semaphore(%arg9 : memref<!tpu.dma_semaphore, #tpu.memory_space<semaphore_mem>>)
    %dma_start3A_9 = arith.constant 1 : i32
    %dma_start3A_10 = arith.constant 0 : i32
    %dma_start3A_11 = tpu.memref_slice %arg5[%dma_start3A_9, %dma_start3A_10] : memref<100x64xi32, #tpu.memory_space<vmem>> -> memref<1x64xi32, #tpu.memory_space<vmem>>
    %dma_start3A_12 = tpu.memref_squeeze %dma_start3A_11 : memref<1x64xi32, #tpu.memory_space<vmem>> -> memref<64xi32, #tpu.memory_space<vmem>>
    %dma_start3A_13 = arith.constant 0 : i32
    %dma_start3A_14 = arith.constant 0 : i32
    %dma_start3A_15 = tpu.memref_slice %arg3[%dma_start3A_13, %dma_start3A_14] : memref<100000x512xf32, #tpu.memory_space<hbm>> -> memref<100000x512xf32, #tpu.memory_space<hbm>>
    tpu.enqueue_indirect_dma source(%dma_start3A_15 : memref<100000x512xf32, #tpu.memory_space<hbm>>) target(%arg7 : memref<64x512xf32, #tpu.memory_space<vmem>>) offsets(%dma_start3A_12 : memref<64xi32, #tpu.memory_space<vmem>>) semaphore(%arg10 : memref<!tpu.dma_semaphore, #tpu.memory_space<semaphore_mem>>)
    %scan3A = arith.constant 0 : i32
    %scan3A_16 = arith.constant 0 : i32
    %scan3A_17 = arith.constant 34 : i32
    %scan3A_18 = arith.addi %scan3A_16, %scan3A_17 : i32
    %scan3A_19 = arith.constant 1 : i32
    scf.for %scan3A_38 = %scan3A_16 to %scan3A_18 step %scan3A_19  : i32 {
      %mul3A_39 = arith.constant 3 : i32
      %mul3A_40 = arith.muli %mul3A_39, %scan3A_38 : i32
      %add3A_41 = arith.constant 0 : i32
      %add3A_42 = arith.addi %mul3A_40, %add3A_41 : i32
      %ge3A = arith.constant 1 : i32
      %ge3A_43 = arith.cmpi sge, %add3A_42, %ge3A : i32
      %add3A_44 = arith.constant 3 : i32
      %add3A_45 = arith.addi %add3A_42, %add3A_44 : i32
      %sub3A = arith.constant 1 : i32
      %sub3A_46 = arith.subi %add3A_45, %sub3A : i32
      %lt3A = arith.constant 100 : i32
      %lt3A_47 = arith.cmpi slt, %sub3A_46, %lt3A : i32
      %and3A = arith.andi %ge3A_43, %lt3A_47 : i1
      %convert_element_type3A = arith.extui %and3A : i1 to i32
      %cond3A = arith.constant 0 : i32
      %cond3A_48 = arith.cmpi ne, %convert_element_type3A, %cond3A : i32
      scf.if %cond3A_48 {
        %sub3A_123 = arith.constant 1 : i32
        %sub3A_124 = arith.subi %add3A_42, %sub3A_123 : i32
        %mul3A_125 = arith.constant 64 : i32
        %mul3A_126 = arith.muli %sub3A_124, %mul3A_125 : i32
        %add3A_127 = arith.addi %mul3A_2, %mul3A_126 : i32
        %dma_wait3A_128 = arith.constant 0 : i32
        %dma_wait3A_129 = tpu.memref_slice %arg4[%add3A_127, %dma_wait3A_128] : memref<204800x512xf32, #tpu.memory_space<hbm>> -> memref<64x512xf32, #tpu.memory_space<hbm>>
        %dma_wait3A_130 = arith.constant 0 : i32
        %dma_wait3A_131 = tpu.memref_slice %arg4[%add3A_127, %dma_wait3A_130] : memref<204800x512xf32, #tpu.memory_space<hbm>> -> memref<64x512xf32, #tpu.memory_space<hbm>>
        tpu.wait_dma2 semaphore(%arg14 : memref<!tpu.dma_semaphore, #tpu.memory_space<semaphore_mem>>) src(%arg8 : memref<64x512xf32, #tpu.memory_space<vmem>>) dst(%dma_wait3A_131 : memref<64x512xf32, #tpu.memory_space<hbm>>)
      } else {
      }
      %add3A_49 = arith.constant 3 : i32
      %add3A_50 = arith.addi %add3A_42, %add3A_49 : i32
      %sub3A_51 = arith.constant 1 : i32
      %sub3A_52 = arith.subi %add3A_50, %sub3A_51 : i32
      %lt3A_53 = arith.constant 100 : i32
      %lt3A_54 = arith.cmpi slt, %sub3A_52, %lt3A_53 : i32
      %convert_element_type3A_55 = arith.extui %lt3A_54 : i1 to i32
      %cond3A_56 = arith.constant 0 : i32
      %cond3A_57 = arith.cmpi ne, %convert_element_type3A_55, %cond3A_56 : i32
      scf.if %cond3A_57 {
        %add3A_123 = arith.constant 3 : i32
        %add3A_124 = arith.addi %add3A_42, %add3A_123 : i32
        %sub3A_125 = arith.constant 1 : i32
        %sub3A_126 = arith.subi %add3A_124, %sub3A_125 : i32
        %dma_start3A_127 = arith.constant 0 : i32
        %dma_start3A_128 = tpu.memref_slice %arg5[%sub3A_126, %dma_start3A_127] : memref<100x64xi32, #tpu.memory_space<vmem>> -> memref<1x64xi32, #tpu.memory_space<vmem>>
        %dma_start3A_129 = tpu.memref_squeeze %dma_start3A_128 : memref<1x64xi32, #tpu.memory_space<vmem>> -> memref<64xi32, #tpu.memory_space<vmem>>
        %dma_start3A_130 = arith.constant 0 : i32
        %dma_start3A_131 = arith.constant 0 : i32
        %dma_start3A_132 = tpu.memref_slice %arg3[%dma_start3A_130, %dma_start3A_131] : memref<100000x512xf32, #tpu.memory_space<hbm>> -> memref<100000x512xf32, #tpu.memory_space<hbm>>
        tpu.enqueue_indirect_dma source(%dma_start3A_132 : memref<100000x512xf32, #tpu.memory_space<hbm>>) target(%arg8 : memref<64x512xf32, #tpu.memory_space<vmem>>) offsets(%dma_start3A_129 : memref<64xi32, #tpu.memory_space<vmem>>) semaphore(%arg11 : memref<!tpu.dma_semaphore, #tpu.memory_space<semaphore_mem>>)
      } else {
      }
      %lt3A_58 = arith.constant 100 : i32
      %lt3A_59 = arith.cmpi slt, %add3A_42, %lt3A_58 : i32
      %convert_element_type3A_60 = arith.extui %lt3A_59 : i1 to i32
      %cond3A_61 = arith.constant 0 : i32
      %cond3A_62 = arith.cmpi ne, %convert_element_type3A_60, %cond3A_61 : i32
      scf.if %cond3A_62 {
        %dma_wait3A_123 = arith.constant 0 : i32
        %dma_wait3A_124 = tpu.memref_slice %arg5[%add3A_42, %dma_wait3A_123] : memref<100x64xi32, #tpu.memory_space<vmem>> -> memref<1x64xi32, #tpu.memory_space<vmem>>
        %dma_wait3A_125 = tpu.memref_squeeze %dma_wait3A_124 : memref<1x64xi32, #tpu.memory_space<vmem>> -> memref<64xi32, #tpu.memory_space<vmem>>
        %dma_wait3A_126 = arith.constant 0 : i32
        %dma_wait3A_127 = arith.constant 0 : i32
        %dma_wait3A_128 = tpu.memref_slice %arg3[%dma_wait3A_126, %dma_wait3A_127] : memref<100000x512xf32, #tpu.memory_space<hbm>> -> memref<100000x512xf32, #tpu.memory_space<hbm>>
        tpu.wait_indirect_dma semaphore(%arg9 : memref<!tpu.dma_semaphore, #tpu.memory_space<semaphore_mem>>) src(%dma_wait3A_128 : memref<100000x512xf32, #tpu.memory_space<hbm>>) dst(%arg6 : memref<64x512xf32, #tpu.memory_space<vmem>>)
        %scan3A_129 = arith.constant 0 : i32
        %scan3A_130 = arith.constant 0 : i32
        %scan3A_131 = arith.constant 64 : i32
        %scan3A_132 = arith.addi %scan3A_130, %scan3A_131 : i32
        %scan3A_133 = arith.constant 1 : i32
        scf.for %scan3A_142 = %scan3A_130 to %scan3A_132 step %scan3A_133  : i32 {
          %get3A = arith.index_cast %scan3A_142 : i32 to index
          %get3A_143 = arith.constant 0 : index
          %get3A_144 = tpu.vector_load %arg6[%get3A, %get3A_143] {strides = array<i32>} : memref<64x512xf32, #tpu.memory_space<vmem>>, vector<1x16xf32>,
          %get3A_145 = vector.shape_cast %get3A_144 : vector<1x16xf32> to vector<16xf32>
          %mul3A_146 = arith.constant 22.6274166 : f32
          %mul3A_147 = vector.broadcast %mul3A_146 : f32 to vector<16xf32>
          %mul3A_148 = arith.mulf %get3A_145, %mul3A_147 : vector<16xf32>
          %swap3A = arith.index_cast %scan3A_142 : i32 to index
          %swap3A_149 = arith.constant 0 : index
          %swap3A_150 = tpu.vector_load %arg6[%swap3A, %swap3A_149] {strides = array<i32>} : memref<64x512xf32, #tpu.memory_space<vmem>>, vector<1x16xf32>,
          %swap3A_151 = vector.shape_cast %swap3A_150 : vector<1x16xf32> to vector<16xf32>
          %swap3A_152 = vector.shape_cast %mul3A_148 : vector<16xf32> to vector<1x16xf32>
          tpu.vector_store %arg6[%swap3A, %swap3A_149], %swap3A_152 {strides = array<i32>} : memref<64x512xf32, #tpu.memory_space<vmem>>, vector<1x16xf32>,
          %get3A_153 = arith.index_cast %scan3A_142 : i32 to index
          %get3A_154 = arith.constant 16 : index
          %get3A_155 = tpu.vector_load %arg6[%get3A_153, %get3A_154] {strides = array<i32>} : memref<64x512xf32, #tpu.memory_space<vmem>>, vector<1x16xf32>,
          %get3A_156 = vector.shape_cast %get3A_155 : vector<1x16xf32> to vector<16xf32>
          %mul3A_157 = arith.constant 22.6274166 : f32
          %mul3A_158 = vector.broadcast %mul3A_157 : f32 to vector<16xf32>
          %mul3A_159 = arith.mulf %get3A_156, %mul3A_158 : vector<16xf32>
          %swap3A_160 = arith.index_cast %scan3A_142 : i32 to index
          %swap3A_161 = arith.constant 16 : index
          %swap3A_162 = tpu.vector_load %arg6[%swap3A_160, %swap3A_161] {strides = array<i32>} : memref<64x512xf32, #tpu.memory_space<vmem>>, vector<1x16xf32>,
          %swap3A_163 = vector.shape_cast %swap3A_162 : vector<1x16xf32> to vector<16xf32>
          %swap3A_164 = vector.shape_cast %mul3A_159 : vector<16xf32> to vector<1x16xf32>
          tpu.vector_store %arg6[%swap3A_160, %swap3A_161], %swap3A_164 {strides = array<i32>} : memref<64x512xf32, #tpu.memory_space<vmem>>, vector<1x16xf32>,
          %get3A_165 = arith.index_cast %scan3A_142 : i32 to index
          %get3A_166 = arith.constant 32 : index
          %get3A_167 = tpu.vector_load %arg6[%get3A_165, %get3A_166] {strides = array<i32>} : memref<64x512xf32, #tpu.memory_space<vmem>>, vector<1x16xf32>,
          %get3A_168 = vector.shape_cast %get3A_167 : vector<1x16xf32> to vector<16xf32>
          %mul3A_169 = arith.constant 22.6274166 : f32
          %mul3A_170 = vector.broadcast %mul3A_169 : f32 to vector<16xf32>
          %mul3A_171 = arith.mulf %get3A_168, %mul3A_170 : vector<16xf32>
          %swap3A_172 = arith.index_cast %scan3A_142 : i32 to index
          %swap3A_173 = arith.constant 32 : index
          %swap3A_174 = tpu.vector_load %arg6[%swap3A_172, %swap3A_173] {strides = array<i32>} : memref<64x512xf32, #tpu.memory_space<vmem>>, vector<1x16xf32>,
          %swap3A_175 = vector.shape_cast %swap3A_174 : vector<1x16xf32> to vector<16xf32>
          %swap3A_176 = vector.shape_cast %mul3A_171 : vector<16xf32> to vector<1x16xf32>
          tpu.vector_store %arg6[%swap3A_172, %swap3A_173], %swap3A_176 {strides = array<i32>} : memref<64x512xf32, #tpu.memory_space<vmem>>, vector<1x16xf32>,
          %get3A_177 = arith.index_cast %scan3A_142 : i32 to index
          %get3A_178 = arith.constant 48 : index
          %get3A_179 = tpu.vector_load %arg6[%get3A_177, %get3A_178] {strides = array<i32>} : memref<64x512xf32, #tpu.memory_space<vmem>>, vector<1x16xf32>,
          %get3A_180 = vector.shape_cast %get3A_179 : vector<1x16xf32> to vector<16xf32>
          %mul3A_181 = arith.constant 22.6274166 : f32
          %mul3A_182 = vector.broadcast %mul3A_181 : f32 to vector<16xf32>
          %mul3A_183 = arith.mulf %get3A_180, %mul3A_182 : vector<16xf32>
          %swap3A_184 = arith.index_cast %scan3A_142 : i32 to index
          %swap3A_185 = arith.constant 48 : index
          %swap3A_186 = tpu.vector_load %arg6[%swap3A_184, %swap3A_185] {strides = array<i32>} : memref<64x512xf32, #tpu.memory_space<vmem>>, vector<1x16xf32>,
          %swap3A_187 = vector.shape_cast %swap3A_186 : vector<1x16xf32> to vector<16xf32>
          %swap3A_188 = vector.shape_cast %mul3A_183 : vector<16xf32> to vector<1x16xf32>
          tpu.vector_store %arg6[%swap3A_184, %swap3A_185], %swap3A_188 {strides = array<i32>} : memref<64x512xf32, #tpu.memory_space<vmem>>, vector<1x16xf32>,
          %get3A_189 = arith.index_cast %scan3A_142 : i32 to index
          %get3A_190 = arith.constant 64 : index
          %get3A_191 = tpu.vector_load %arg6[%get3A_189, %get3A_190] {strides = array<i32>} : memref<64x512xf32, #tpu.memory_space<vmem>>, vector<1x16xf32>,
          %get3A_192 = vector.shape_cast %get3A_191 : vector<1x16xf32> to vector<16xf32>
          %mul3A_193 = arith.constant 22.6274166 : f32
          %mul3A_194 = vector.broadcast %mul3A_193 : f32 to vector<16xf32>
          %mul3A_195 = arith.mulf %get3A_192, %mul3A_194 : vector<16xf32>
          %swap3A_196 = arith.index_cast %scan3A_142 : i32 to index
          %swap3A_197 = arith.constant 64 : index
          %swap3A_198 = tpu.vector_load %arg6[%swap3A_196, %swap3A_197] {strides = array<i32>} : memref<64x512xf32, #tpu.memory_space<vmem>>, vector<1x16xf32>,
          %swap3A_199 = vector.shape_cast %swap3A_198 : vector<1x16xf32> to vector<16xf32>
          %swap3A_200 = vector.shape_cast %mul3A_195 : vector<16xf32> to vector<1x16xf32>
          tpu.vector_store %arg6[%swap3A_196, %swap3A_197], %swap3A_200 {strides = array<i32>} : memref<64x512xf32, #tpu.memory_space<vmem>>, vector<1x16xf32>,
          %get3A_201 = arith.index_cast %scan3A_142 : i32 to index
          %get3A_202 = arith.constant 80 : index
          %get3A_203 = tpu.vector_load %arg6[%get3A_201, %get3A_202] {strides = array<i32>} : memref<64x512xf32, #tpu.memory_space<vmem>>, vector<1x16xf32>,
          %get3A_204 = vector.shape_cast %get3A_203 : vector<1x16xf32> to vector<16xf32>
          %mul3A_205 = arith.constant 22.6274166 : f32
          %mul3A_206 = vector.broadcast %mul3A_205 : f32 to vector<16xf32>
          %mul3A_207 = arith.mulf %get3A_204, %mul3A_206 : vector<16xf32>
          %swap3A_208 = arith.index_cast %scan3A_142 : i32 to index
          %swap3A_209 = arith.constant 80 : index
          %swap3A_210 = tpu.vector_load %arg6[%swap3A_208, %swap3A_209] {strides = array<i32>} : memref<64x512xf32, #tpu.memory_space<vmem>>, vector<1x16xf32>,
          %swap3A_211 = vector.shape_cast %swap3A_210 : vector<1x16xf32> to vector<16xf32>
          %swap3A_212 = vector.shape_cast %mul3A_207 : vector<16xf32> to vector<1x16xf32>
          tpu.vector_store %arg6[%swap3A_208, %swap3A_209], %swap3A_212 {strides = array<i32>} : memref<64x512xf32, #tpu.memory_space<vmem>>, vector<1x16xf32>,
          %get3A_213 = arith.index_cast %scan3A_142 : i32 to index
          %get3A_214 = arith.constant 96 : index
          %get3A_215 = tpu.vector_load %arg6[%get3A_213, %get3A_214] {strides = array<i32>} : memref<64x512xf32, #tpu.memory_space<vmem>>, vector<1x16xf32>,
          %get3A_216 = vector.shape_cast %get3A_215 : vector<1x16xf32> to vector<16xf32>
          %mul3A_217 = arith.constant 22.6274166 : f32
          %mul3A_218 = vector.broadcast %mul3A_217 : f32 to vector<16xf32>
          %mul3A_219 = arith.mulf %get3A_216, %mul3A_218 : vector<16xf32>
          %swap3A_220 = arith.index_cast %scan3A_142 : i32 to index
          %swap3A_221 = arith.constant 96 : index
          %swap3A_222 = tpu.vector_load %arg6[%swap3A_220, %swap3A_221] {strides = array<i32>} : memref<64x512xf32, #tpu.memory_space<vmem>>, vector<1x16xf32>,
          %swap3A_223 = vector.shape_cast %swap3A_222 : vector<1x16xf32> to vector<16xf32>
          %swap3A_224 = vector.shape_cast %mul3A_219 : vector<16xf32> to vector<1x16xf32>
          tpu.vector_store %arg6[%swap3A_220, %swap3A_221], %swap3A_224 {strides = array<i32>} : memref<64x512xf32, #tpu.memory_space<vmem>>, vector<1x16xf32>,
          %get3A_225 = arith.index_cast %scan3A_142 : i32 to index
          %get3A_226 = arith.constant 112 : index
          %get3A_227 = tpu.vector_load %arg6[%get3A_225, %get3A_226] {strides = array<i32>} : memref<64x512xf32, #tpu.memory_space<vmem>>, vector<1x16xf32>,
          %get3A_228 = vector.shape_cast %get3A_227 : vector<1x16xf32> to vector<16xf32>
          %mul3A_229 = arith.constant 22.6274166 : f32
          %mul3A_230 = vector.broadcast %mul3A_229 : f32 to vector<16xf32>
          %mul3A_231 = arith.mulf %get3A_228, %mul3A_230 : vector<16xf32>
          %swap3A_232 = arith.index_cast %scan3A_142 : i32 to index
          %swap3A_233 = arith.constant 112 : index
          %swap3A_234 = tpu.vector_load %arg6[%swap3A_232, %swap3A_233] {strides = array<i32>} : memref<64x512xf32, #tpu.memory_space<vmem>>, vector<1x16xf32>,
          %swap3A_235 = vector.shape_cast %swap3A_234 : vector<1x16xf32> to vector<16xf32>
          %swap3A_236 = vector.shape_cast %mul3A_231 : vector<16xf32> to vector<1x16xf32>
          tpu.vector_store %arg6[%swap3A_232, %swap3A_233], %swap3A_236 {strides = array<i32>} : memref<64x512xf32, #tpu.memory_space<vmem>>, vector<1x16xf32>,
          %get3A_237 = arith.index_cast %scan3A_142 : i32 to index
          %get3A_238 = arith.constant 128 : index
          %get3A_239 = tpu.vector_load %arg6[%get3A_237, %get3A_238] {strides = array<i32>} : memref<64x512xf32, #tpu.memory_space<vmem>>, vector<1x16xf32>,
          %get3A_240 = vector.shape_cast %get3A_239 : vector<1x16xf32> to vector<16xf32>
          %mul3A_241 = arith.constant 22.6274166 : f32
          %mul3A_242 = vector.broadcast %mul3A_241 : f32 to vector<16xf32>
          %mul3A_243 = arith.mulf %get3A_240, %mul3A_242 : vector<16xf32>
          %swap3A_244 = arith.index_cast %scan3A_142 : i32 to index
          %swap3A_245 = arith.constant 128 : index
          %swap3A_246 = tpu.vector_load %arg6[%swap3A_244, %swap3A_245] {strides = array<i32>} : memref<64x512xf32, #tpu.memory_space<vmem>>, vector<1x16xf32>,
          %swap3A_247 = vector.shape_cast %swap3A_246 : vector<1x16xf32> to vector<16xf32>
          %swap3A_248 = vector.shape_cast %mul3A_243 : vector<16xf32> to vector<1x16xf32>
          tpu.vector_store %arg6[%swap3A_244, %swap3A_245], %swap3A_248 {strides = array<i32>} : memref<64x512xf32, #tpu.memory_space<vmem>>, vector<1x16xf32>,
          %get3A_249 = arith.index_cast %scan3A_142 : i32 to index
          %get3A_250 = arith.constant 144 : index
          %get3A_251 = tpu.vector_load %arg6[%get3A_249, %get3A_250] {strides = array<i32>} : memref<64x512xf32, #tpu.memory_space<vmem>>, vector<1x16xf32>,
          %get3A_252 = vector.shape_cast %get3A_251 : vector<1x16xf32> to vector<16xf32>
          %mul3A_253 = arith.constant 22.6274166 : f32
          %mul3A_254 = vector.broadcast %mul3A_253 : f32 to vector<16xf32>
          %mul3A_255 = arith.mulf %get3A_252, %mul3A_254 : vector<16xf32>
          %swap3A_256 = arith.index_cast %scan3A_142 : i32 to index
          %swap3A_257 = arith.constant 144 : index
          %swap3A_258 = tpu.vector_load %arg6[%swap3A_256, %swap3A_257] {strides = array<i32>} : memref<64x512xf32, #tpu.memory_space<vmem>>, vector<1x16xf32>,
          %swap3A_259 = vector.shape_cast %swap3A_258 : vector<1x16xf32> to vector<16xf32>
          %swap3A_260 = vector.shape_cast %mul3A_255 : vector<16xf32> to vector<1x16xf32>
          tpu.vector_store %arg6[%swap3A_256, %swap3A_257], %swap3A_260 {strides = array<i32>} : memref<64x512xf32, #tpu.memory_space<vmem>>, vector<1x16xf32>,
          %get3A_261 = arith.index_cast %scan3A_142 : i32 to index
          %get3A_262 = arith.constant 160 : index
          %get3A_263 = tpu.vector_load %arg6[%get3A_261, %get3A_262] {strides = array<i32>} : memref<64x512xf32, #tpu.memory_space<vmem>>, vector<1x16xf32>,
          %get3A_264 = vector.shape_cast %get3A_263 : vector<1x16xf32> to vector<16xf32>
          %mul3A_265 = arith.constant 22.6274166 : f32
          %mul3A_266 = vector.broadcast %mul3A_265 : f32 to vector<16xf32>
          %mul3A_267 = arith.mulf %get3A_264, %mul3A_266 : vector<16xf32>
          %swap3A_268 = arith.index_cast %scan3A_142 : i32 to index
          %swap3A_269 = arith.constant 160 : index
          %swap3A_270 = tpu.vector_load %arg6[%swap3A_268, %swap3A_269] {strides = array<i32>} : memref<64x512xf32, #tpu.memory_space<vmem>>, vector<1x16xf32>,
          %swap3A_271 = vector.shape_cast %swap3A_270 : vector<1x16xf32> to vector<16xf32>
          %swap3A_272 = vector.shape_cast %mul3A_267 : vector<16xf32> to vector<1x16xf32>
          tpu.vector_store %arg6[%swap3A_268, %swap3A_269], %swap3A_272 {strides = array<i32>} : memref<64x512xf32, #tpu.memory_space<vmem>>, vector<1x16xf32>,
          %get3A_273 = arith.index_cast %scan3A_142 : i32 to index
          %get3A_274 = arith.constant 176 : index
          %get3A_275 = tpu.vector_load %arg6[%get3A_273, %get3A_274] {strides = array<i32>} : memref<64x512xf32, #tpu.memory_space<vmem>>, vector<1x16xf32>,
          %get3A_276 = vector.shape_cast %get3A_275 : vector<1x16xf32> to vector<16xf32>
          %mul3A_277 = arith.constant 22.6274166 : f32
          %mul3A_278 = vector.broadcast %mul3A_277 : f32 to vector<16xf32>
          %mul3A_279 = arith.mulf %get3A_276, %mul3A_278 : vector<16xf32>
          %swap3A_280 = arith.index_cast %scan3A_142 : i32 to index
          %swap3A_281 = arith.constant 176 : index
          %swap3A_282 = tpu.vector_load %arg6[%swap3A_280, %swap3A_281] {strides = array<i32>} : memref<64x512xf32, #tpu.memory_space<vmem>>, vector<1x16xf32>,
          %swap3A_283 = vector.shape_cast %swap3A_282 : vector<1x16xf32> to vector<16xf32>
          %swap3A_284 = vector.shape_cast %mul3A_279 : vector<16xf32> to vector<1x16xf32>
          tpu.vector_store %arg6[%swap3A_280, %swap3A_281], %swap3A_284 {strides = array<i32>} : memref<64x512xf32, #tpu.memory_space<vmem>>, vector<1x16xf32>,
          %get3A_285 = arith.index_cast %scan3A_142 : i32 to index
          %get3A_286 = arith.constant 192 : index
          %get3A_287 = tpu.vector_load %arg6[%get3A_285, %get3A_286] {strides = array<i32>} : memref<64x512xf32, #tpu.memory_space<vmem>>, vector<1x16xf32>,
          %get3A_288 = vector.shape_cast %get3A_287 : vector<1x16xf32> to vector<16xf32>
          %mul3A_289 = arith.constant 22.6274166 : f32
          %mul3A_290 = vector.broadcast %mul3A_289 : f32 to vector<16xf32>
          %mul3A_291 = arith.mulf %get3A_288, %mul3A_290 : vector<16xf32>
          %swap3A_292 = arith.index_cast %scan3A_142 : i32 to index
          %swap3A_293 = arith.constant 192 : index
          %swap3A_294 = tpu.vector_load %arg6[%swap3A_292, %swap3A_293] {strides = array<i32>} : memref<64x512xf32, #tpu.memory_space<vmem>>, vector<1x16xf32>,
          %swap3A_295 = vector.shape_cast %swap3A_294 : vector<1x16xf32> to vector<16xf32>
          %swap3A_296 = vector.shape_cast %mul3A_291 : vector<16xf32> to vector<1x16xf32>
          tpu.vector_store %arg6[%swap3A_292, %swap3A_293], %swap3A_296 {strides = array<i32>} : memref<64x512xf32, #tpu.memory_space<vmem>>, vector<1x16xf32>,
          %get3A_297 = arith.index_cast %scan3A_142 : i32 to index
          %get3A_298 = arith.constant 208 : index
          %get3A_299 = tpu.vector_load %arg6[%get3A_297, %get3A_298] {strides = array<i32>} : memref<64x512xf32, #tpu.memory_space<vmem>>, vector<1x16xf32>,
          %get3A_300 = vector.shape_cast %get3A_299 : vector<1x16xf32> to vector<16xf32>
          %mul3A_301 = arith.constant 22.6274166 : f32
          %mul3A_302 = vector.broadcast %mul3A_301 : f32 to vector<16xf32>
          %mul3A_303 = arith.mulf %get3A_300, %mul3A_302 : vector<16xf32>
          %swap3A_304 = arith.index_cast %scan3A_142 : i32 to index
          %swap3A_305 = arith.constant 208 : index
          %swap3A_306 = tpu.vector_load %arg6[%swap3A_304, %swap3A_305] {strides = array<i32>} : memref<64x512xf32, #tpu.memory_space<vmem>>, vector<1x16xf32>,
          %swap3A_307 = vector.shape_cast %swap3A_306 : vector<1x16xf32> to vector<16xf32>
          %swap3A_308 = vector.shape_cast %mul3A_303 : vector<16xf32> to vector<1x16xf32>
          tpu.vector_store %arg6[%swap3A_304, %swap3A_305], %swap3A_308 {strides = array<i32>} : memref<64x512xf32, #tpu.memory_space<vmem>>, vector<1x16xf32>,
          %get3A_309 = arith.index_cast %scan3A_142 : i32 to index
          %get3A_310 = arith.constant 224 : index
          %get3A_311 = tpu.vector_load %arg6[%get3A_309, %get3A_310] {strides = array<i32>} : memref<64x512xf32, #tpu.memory_space<vmem>>, vector<1x16xf32>,
          %get3A_312 = vector.shape_cast %get3A_311 : vector<1x16xf32> to vector<16xf32>
          %mul3A_313 = arith.constant 22.6274166 : f32
          %mul3A_314 = vector.broadcast %mul3A_313 : f32 to vector<16xf32>
          %mul3A_315 = arith.mulf %get3A_312, %mul3A_314 : vector<16xf32>
          %swap3A_316 = arith.index_cast %scan3A_142 : i32 to index
          %swap3A_317 = arith.constant 224 : index
          %swap3A_318 = tpu.vector_load %arg6[%swap3A_316, %swap3A_317] {strides = array<i32>} : memref<64x512xf32, #tpu.memory_space<vmem>>, vector<1x16xf32>,
          %swap3A_319 = vector.shape_cast %swap3A_318 : vector<1x16xf32> to vector<16xf32>
          %swap3A_320 = vector.shape_cast %mul3A_315 : vector<16xf32> to vector<1x16xf32>
          tpu.vector_store %arg6[%swap3A_316, %swap3A_317], %swap3A_320 {strides = array<i32>} : memref<64x512xf32, #tpu.memory_space<vmem>>, vector<1x16xf32>,
          %get3A_321 = arith.index_cast %scan3A_142 : i32 to index
          %get3A_322 = arith.constant 240 : index
          %get3A_323 = tpu.vector_load %arg6[%get3A_321, %get3A_322] {strides = array<i32>} : memref<64x512xf32, #tpu.memory_space<vmem>>, vector<1x16xf32>,
          %get3A_324 = vector.shape_cast %get3A_323 : vector<1x16xf32> to vector<16xf32>
          %mul3A_325 = arith.constant 22.6274166 : f32
          %mul3A_326 = vector.broadcast %mul3A_325 : f32 to vector<16xf32>
          %mul3A_327 = arith.mulf %get3A_324, %mul3A_326 : vector<16xf32>
          %swap3A_328 = arith.index_cast %scan3A_142 : i32 to index
          %swap3A_329 = arith.constant 240 : index
          %swap3A_330 = tpu.vector_load %arg6[%swap3A_328, %swap3A_329] {strides = array<i32>} : memref<64x512xf32, #tpu.memory_space<vmem>>, vector<1x16xf32>,
          %swap3A_331 = vector.shape_cast %swap3A_330 : vector<1x16xf32> to vector<16xf32>
          %swap3A_332 = vector.shape_cast %mul3A_327 : vector<16xf32> to vector<1x16xf32>
          tpu.vector_store %arg6[%swap3A_328, %swap3A_329], %swap3A_332 {strides = array<i32>} : memref<64x512xf32, #tpu.memory_space<vmem>>, vector<1x16xf32>,
          %get3A_333 = arith.index_cast %scan3A_142 : i32 to index
          %get3A_334 = arith.constant 256 : index
          %get3A_335 = tpu.vector_load %arg6[%get3A_333, %get3A_334] {strides = array<i32>} : memref<64x512xf32, #tpu.memory_space<vmem>>, vector<1x16xf32>,
          %get3A_336 = vector.shape_cast %get3A_335 : vector<1x16xf32> to vector<16xf32>
          %mul3A_337 = arith.constant 22.6274166 : f32
          %mul3A_338 = vector.broadcast %mul3A_337 : f32 to vector<16xf32>
          %mul3A_339 = arith.mulf %get3A_336, %mul3A_338 : vector<16xf32>
          %swap3A_340 = arith.index_cast %scan3A_142 : i32 to index
          %swap3A_341 = arith.constant 256 : index
          %swap3A_342 = tpu.vector_load %arg6[%swap3A_340, %swap3A_341] {strides = array<i32>} : memref<64x512xf32, #tpu.memory_space<vmem>>, vector<1x16xf32>,
          %swap3A_343 = vector.shape_cast %swap3A_342 : vector<1x16xf32> to vector<16xf32>
          %swap3A_344 = vector.shape_cast %mul3A_339 : vector<16xf32> to vector<1x16xf32>
          tpu.vector_store %arg6[%swap3A_340, %swap3A_341], %swap3A_344 {strides = array<i32>} : memref<64x512xf32, #tpu.memory_space<vmem>>, vector<1x16xf32>,
          %get3A_345 = arith.index_cast %scan3A_142 : i32 to index
          %get3A_346 = arith.constant 272 : index
          %get3A_347 = tpu.vector_load %arg6[%get3A_345, %get3A_346] {strides = array<i32>} : memref<64x512xf32, #tpu.memory_space<vmem>>, vector<1x16xf32>,
          %get3A_348 = vector.shape_cast %get3A_347 : vector<1x16xf32> to vector<16xf32>
          %mul3A_349 = arith.constant 22.6274166 : f32
          %mul3A_350 = vector.broadcast %mul3A_349 : f32 to vector<16xf32>
          %mul3A_351 = arith.mulf %get3A_348, %mul3A_350 : vector<16xf32>
          %swap3A_352 = arith.index_cast %scan3A_142 : i32 to index
          %swap3A_353 = arith.constant 272 : index
          %swap3A_354 = tpu.vector_load %arg6[%swap3A_352, %swap3A_353] {strides = array<i32>} : memref<64x512xf32, #tpu.memory_space<vmem>>, vector<1x16xf32>,
          %swap3A_355 = vector.shape_cast %swap3A_354 : vector<1x16xf32> to vector<16xf32>
          %swap3A_356 = vector.shape_cast %mul3A_351 : vector<16xf32> to vector<1x16xf32>
          tpu.vector_store %arg6[%swap3A_352, %swap3A_353], %swap3A_356 {strides = array<i32>} : memref<64x512xf32, #tpu.memory_space<vmem>>, vector<1x16xf32>,
          %get3A_357 = arith.index_cast %scan3A_142 : i32 to index
          %get3A_358 = arith.constant 288 : index
          %get3A_359 = tpu.vector_load %arg6[%get3A_357, %get3A_358] {strides = array<i32>} : memref<64x512xf32, #tpu.memory_space<vmem>>, vector<1x16xf32>,
          %get3A_360 = vector.shape_cast %get3A_359 : vector<1x16xf32> to vector<16xf32>
          %mul3A_361 = arith.constant 22.6274166 : f32
          %mul3A_362 = vector.broadcast %mul3A_361 : f32 to vector<16xf32>
          %mul3A_363 = arith.mulf %get3A_360, %mul3A_362 : vector<16xf32>
          %swap3A_364 = arith.index_cast %scan3A_142 : i32 to index
          %swap3A_365 = arith.constant 288 : index
          %swap3A_366 = tpu.vector_load %arg6[%swap3A_364, %swap3A_365] {strides = array<i32>} : memref<64x512xf32, #tpu.memory_space<vmem>>, vector<1x16xf32>,
          %swap3A_367 = vector.shape_cast %swap3A_366 : vector<1x16xf32> to vector<16xf32>
          %swap3A_368 = vector.shape_cast %mul3A_363 : vector<16xf32> to vector<1x16xf32>
          tpu.vector_store %arg6[%swap3A_364, %swap3A_365], %swap3A_368 {strides = array<i32>} : memref<64x512xf32, #tpu.memory_space<vmem>>, vector<1x16xf32>,
          %get3A_369 = arith.index_cast %scan3A_142 : i32 to index
          %get3A_370 = arith.constant 304 : index
          %get3A_371 = tpu.vector_load %arg6[%get3A_369, %get3A_370] {strides = array<i32>} : memref<64x512xf32, #tpu.memory_space<vmem>>, vector<1x16xf32>,
          %get3A_372 = vector.shape_cast %get3A_371 : vector<1x16xf32> to vector<16xf32>
          %mul3A_373 = arith.constant 22.6274166 : f32
          %mul3A_374 = vector.broadcast %mul3A_373 : f32 to vector<16xf32>
          %mul3A_375 = arith.mulf %get3A_372, %mul3A_374 : vector<16xf32>
          %swap3A_376 = arith.index_cast %scan3A_142 : i32 to index
          %swap3A_377 = arith.constant 304 : index
          %swap3A_378 = tpu.vector_load %arg6[%swap3A_376, %swap3A_377] {strides = array<i32>} : memref<64x512xf32, #tpu.memory_space<vmem>>, vector<1x16xf32>,
          %swap3A_379 = vector.shape_cast %swap3A_378 : vector<1x16xf32> to vector<16xf32>
          %swap3A_380 = vector.shape_cast %mul3A_375 : vector<16xf32> to vector<1x16xf32>
          tpu.vector_store %arg6[%swap3A_376, %swap3A_377], %swap3A_380 {strides = array<i32>} : memref<64x512xf32, #tpu.memory_space<vmem>>, vector<1x16xf32>,
          %get3A_381 = arith.index_cast %scan3A_142 : i32 to index
          %get3A_382 = arith.constant 320 : index
          %get3A_383 = tpu.vector_load %arg6[%get3A_381, %get3A_382] {strides = array<i32>} : memref<64x512xf32, #tpu.memory_space<vmem>>, vector<1x16xf32>,
          %get3A_384 = vector.shape_cast %get3A_383 : vector<1x16xf32> to vector<16xf32>
          %mul3A_385 = arith.constant 22.6274166 : f32
          %mul3A_386 = vector.broadcast %mul3A_385 : f32 to vector<16xf32>
          %mul3A_387 = arith.mulf %get3A_384, %mul3A_386 : vector<16xf32>
          %swap3A_388 = arith.index_cast %scan3A_142 : i32 to index
          %swap3A_389 = arith.constant 320 : index
          %swap3A_390 = tpu.vector_load %arg6[%swap3A_388, %swap3A_389] {strides = array<i32>} : memref<64x512xf32, #tpu.memory_space<vmem>>, vector<1x16xf32>,
          %swap3A_391 = vector.shape_cast %swap3A_390 : vector<1x16xf32> to vector<16xf32>
          %swap3A_392 = vector.shape_cast %mul3A_387 : vector<16xf32> to vector<1x16xf32>
          tpu.vector_store %arg6[%swap3A_388, %swap3A_389], %swap3A_392 {strides = array<i32>} : memref<64x512xf32, #tpu.memory_space<vmem>>, vector<1x16xf32>,
          %get3A_393 = arith.index_cast %scan3A_142 : i32 to index
          %get3A_394 = arith.constant 336 : index
          %get3A_395 = tpu.vector_load %arg6[%get3A_393, %get3A_394] {strides = array<i32>} : memref<64x512xf32, #tpu.memory_space<vmem>>, vector<1x16xf32>,
          %get3A_396 = vector.shape_cast %get3A_395 : vector<1x16xf32> to vector<16xf32>
          %mul3A_397 = arith.constant 22.6274166 : f32
          %mul3A_398 = vector.broadcast %mul3A_397 : f32 to vector<16xf32>
          %mul3A_399 = arith.mulf %get3A_396, %mul3A_398 : vector<16xf32>
          %swap3A_400 = arith.index_cast %scan3A_142 : i32 to index
          %swap3A_401 = arith.constant 336 : index
          %swap3A_402 = tpu.vector_load %arg6[%swap3A_400, %swap3A_401] {strides = array<i32>} : memref<64x512xf32, #tpu.memory_space<vmem>>, vector<1x16xf32>,
          %swap3A_403 = vector.shape_cast %swap3A_402 : vector<1x16xf32> to vector<16xf32>
          %swap3A_404 = vector.shape_cast %mul3A_399 : vector<16xf32> to vector<1x16xf32>
          tpu.vector_store %arg6[%swap3A_400, %swap3A_401], %swap3A_404 {strides = array<i32>} : memref<64x512xf32, #tpu.memory_space<vmem>>, vector<1x16xf32>,
          %get3A_405 = arith.index_cast %scan3A_142 : i32 to index
          %get3A_406 = arith.constant 352 : index
          %get3A_407 = tpu.vector_load %arg6[%get3A_405, %get3A_406] {strides = array<i32>} : memref<64x512xf32, #tpu.memory_space<vmem>>, vector<1x16xf32>,
          %get3A_408 = vector.shape_cast %get3A_407 : vector<1x16xf32> to vector<16xf32>
          %mul3A_409 = arith.constant 22.6274166 : f32
          %mul3A_410 = vector.broadcast %mul3A_409 : f32 to vector<16xf32>
          %mul3A_411 = arith.mulf %get3A_408, %mul3A_410 : vector<16xf32>
          %swap3A_412 = arith.index_cast %scan3A_142 : i32 to index
          %swap3A_413 = arith.constant 352 : index
          %swap3A_414 = tpu.vector_load %arg6[%swap3A_412, %swap3A_413] {strides = array<i32>} : memref<64x512xf32, #tpu.memory_space<vmem>>, vector<1x16xf32>,
          %swap3A_415 = vector.shape_cast %swap3A_414 : vector<1x16xf32> to vector<16xf32>
          %swap3A_416 = vector.shape_cast %mul3A_411 : vector<16xf32> to vector<1x16xf32>
          tpu.vector_store %arg6[%swap3A_412, %swap3A_413], %swap3A_416 {strides = array<i32>} : memref<64x512xf32, #tpu.memory_space<vmem>>, vector<1x16xf32>,
          %get3A_417 = arith.index_cast %scan3A_142 : i32 to index
          %get3A_418 = arith.constant 368 : index
          %get3A_419 = tpu.vector_load %arg6[%get3A_417, %get3A_418] {strides = array<i32>} : memref<64x512xf32, #tpu.memory_space<vmem>>, vector<1x16xf32>,
          %get3A_420 = vector.shape_cast %get3A_419 : vector<1x16xf32> to vector<16xf32>
          %mul3A_421 = arith.constant 22.6274166 : f32
          %mul3A_422 = vector.broadcast %mul3A_421 : f32 to vector<16xf32>
          %mul3A_423 = arith.mulf %get3A_420, %mul3A_422 : vector<16xf32>
          %swap3A_424 = arith.index_cast %scan3A_142 : i32 to index
          %swap3A_425 = arith.constant 368 : index
          %swap3A_426 = tpu.vector_load %arg6[%swap3A_424, %swap3A_425] {strides = array<i32>} : memref<64x512xf32, #tpu.memory_space<vmem>>, vector<1x16xf32>,
          %swap3A_427 = vector.shape_cast %swap3A_426 : vector<1x16xf32> to vector<16xf32>
          %swap3A_428 = vector.shape_cast %mul3A_423 : vector<16xf32> to vector<1x16xf32>
          tpu.vector_store %arg6[%swap3A_424, %swap3A_425], %swap3A_428 {strides = array<i32>} : memref<64x512xf32, #tpu.memory_space<vmem>>, vector<1x16xf32>,
          %get3A_429 = arith.index_cast %scan3A_142 : i32 to index
          %get3A_430 = arith.constant 384 : index
          %get3A_431 = tpu.vector_load %arg6[%get3A_429, %get3A_430] {strides = array<i32>} : memref<64x512xf32, #tpu.memory_space<vmem>>, vector<1x16xf32>,
          %get3A_432 = vector.shape_cast %get3A_431 : vector<1x16xf32> to vector<16xf32>
          %mul3A_433 = arith.constant 22.6274166 : f32
          %mul3A_434 = vector.broadcast %mul3A_433 : f32 to vector<16xf32>
          %mul3A_435 = arith.mulf %get3A_432, %mul3A_434 : vector<16xf32>
          %swap3A_436 = arith.index_cast %scan3A_142 : i32 to index
          %swap3A_437 = arith.constant 384 : index
          %swap3A_438 = tpu.vector_load %arg6[%swap3A_436, %swap3A_437] {strides = array<i32>} : memref<64x512xf32, #tpu.memory_space<vmem>>, vector<1x16xf32>,
          %swap3A_439 = vector.shape_cast %swap3A_438 : vector<1x16xf32> to vector<16xf32>
          %swap3A_440 = vector.shape_cast %mul3A_435 : vector<16xf32> to vector<1x16xf32>
          tpu.vector_store %arg6[%swap3A_436, %swap3A_437], %swap3A_440 {strides = array<i32>} : memref<64x512xf32, #tpu.memory_space<vmem>>, vector<1x16xf32>,
          %get3A_441 = arith.index_cast %scan3A_142 : i32 to index
          %get3A_442 = arith.constant 400 : index
          %get3A_443 = tpu.vector_load %arg6[%get3A_441, %get3A_442] {strides = array<i32>} : memref<64x512xf32, #tpu.memory_space<vmem>>, vector<1x16xf32>,
          %get3A_444 = vector.shape_cast %get3A_443 : vector<1x16xf32> to vector<16xf32>
          %mul3A_445 = arith.constant 22.6274166 : f32
          %mul3A_446 = vector.broadcast %mul3A_445 : f32 to vector<16xf32>
          %mul3A_447 = arith.mulf %get3A_444, %mul3A_446 : vector<16xf32>
          %swap3A_448 = arith.index_cast %scan3A_142 : i32 to index
          %swap3A_449 = arith.constant 400 : index
          %swap3A_450 = tpu.vector_load %arg6[%swap3A_448, %swap3A_449] {strides = array<i32>} : memref<64x512xf32, #tpu.memory_space<vmem>>, vector<1x16xf32>,
          %swap3A_451 = vector.shape_cast %swap3A_450 : vector<1x16xf32> to vector<16xf32>
          %swap3A_452 = vector.shape_cast %mul3A_447 : vector<16xf32> to vector<1x16xf32>
          tpu.vector_store %arg6[%swap3A_448, %swap3A_449], %swap3A_452 {strides = array<i32>} : memref<64x512xf32, #tpu.memory_space<vmem>>, vector<1x16xf32>,
          %get3A_453 = arith.index_cast %scan3A_142 : i32 to index
          %get3A_454 = arith.constant 416 : index
          %get3A_455 = tpu.vector_load %arg6[%get3A_453, %get3A_454] {strides = array<i32>} : memref<64x512xf32, #tpu.memory_space<vmem>>, vector<1x16xf32>,
          %get3A_456 = vector.shape_cast %get3A_455 : vector<1x16xf32> to vector<16xf32>
          %mul3A_457 = arith.constant 22.6274166 : f32
          %mul3A_458 = vector.broadcast %mul3A_457 : f32 to vector<16xf32>
          %mul3A_459 = arith.mulf %get3A_456, %mul3A_458 : vector<16xf32>
          %swap3A_460 = arith.index_cast %scan3A_142 : i32 to index
          %swap3A_461 = arith.constant 416 : index
          %swap3A_462 = tpu.vector_load %arg6[%swap3A_460, %swap3A_461] {strides = array<i32>} : memref<64x512xf32, #tpu.memory_space<vmem>>, vector<1x16xf32>,
          %swap3A_463 = vector.shape_cast %swap3A_462 : vector<1x16xf32> to vector<16xf32>
          %swap3A_464 = vector.shape_cast %mul3A_459 : vector<16xf32> to vector<1x16xf32>
          tpu.vector_store %arg6[%swap3A_460, %swap3A_461], %swap3A_464 {strides = array<i32>} : memref<64x512xf32, #tpu.memory_space<vmem>>, vector<1x16xf32>,
          %get3A_465 = arith.index_cast %scan3A_142 : i32 to index
          %get3A_466 = arith.constant 432 : index
          %get3A_467 = tpu.vector_load %arg6[%get3A_465, %get3A_466] {strides = array<i32>} : memref<64x512xf32, #tpu.memory_space<vmem>>, vector<1x16xf32>,
          %get3A_468 = vector.shape_cast %get3A_467 : vector<1x16xf32> to vector<16xf32>
          %mul3A_469 = arith.constant 22.6274166 : f32
          %mul3A_470 = vector.broadcast %mul3A_469 : f32 to vector<16xf32>
          %mul3A_471 = arith.mulf %get3A_468, %mul3A_470 : vector<16xf32>
          %swap3A_472 = arith.index_cast %scan3A_142 : i32 to index
          %swap3A_473 = arith.constant 432 : index
          %swap3A_474 = tpu.vector_load %arg6[%swap3A_472, %swap3A_473] {strides = array<i32>} : memref<64x512xf32, #tpu.memory_space<vmem>>, vector<1x16xf32>,
          %swap3A_475 = vector.shape_cast %swap3A_474 : vector<1x16xf32> to vector<16xf32>
          %swap3A_476 = vector.shape_cast %mul3A_471 : vector<16xf32> to vector<1x16xf32>
          tpu.vector_store %arg6[%swap3A_472, %swap3A_473], %swap3A_476 {strides = array<i32>} : memref<64x512xf32, #tpu.memory_space<vmem>>, vector<1x16xf32>,
          %get3A_477 = arith.index_cast %scan3A_142 : i32 to index
          %get3A_478 = arith.constant 448 : index
          %get3A_479 = tpu.vector_load %arg6[%get3A_477, %get3A_478] {strides = array<i32>} : memref<64x512xf32, #tpu.memory_space<vmem>>, vector<1x16xf32>,
          %get3A_480 = vector.shape_cast %get3A_479 : vector<1x16xf32> to vector<16xf32>
          %mul3A_481 = arith.constant 22.6274166 : f32
          %mul3A_482 = vector.broadcast %mul3A_481 : f32 to vector<16xf32>
          %mul3A_483 = arith.mulf %get3A_480, %mul3A_482 : vector<16xf32>
          %swap3A_484 = arith.index_cast %scan3A_142 : i32 to index
          %swap3A_485 = arith.constant 448 : index
          %swap3A_486 = tpu.vector_load %arg6[%swap3A_484, %swap3A_485] {strides = array<i32>} : memref<64x512xf32, #tpu.memory_space<vmem>>, vector<1x16xf32>,
          %swap3A_487 = vector.shape_cast %swap3A_486 : vector<1x16xf32> to vector<16xf32>
          %swap3A_488 = vector.shape_cast %mul3A_483 : vector<16xf32> to vector<1x16xf32>
          tpu.vector_store %arg6[%swap3A_484, %swap3A_485], %swap3A_488 {strides = array<i32>} : memref<64x512xf32, #tpu.memory_space<vmem>>, vector<1x16xf32>,
          %get3A_489 = arith.index_cast %scan3A_142 : i32 to index
          %get3A_490 = arith.constant 464 : index
          %get3A_491 = tpu.vector_load %arg6[%get3A_489, %get3A_490] {strides = array<i32>} : memref<64x512xf32, #tpu.memory_space<vmem>>, vector<1x16xf32>,
          %get3A_492 = vector.shape_cast %get3A_491 : vector<1x16xf32> to vector<16xf32>
          %mul3A_493 = arith.constant 22.6274166 : f32
          %mul3A_494 = vector.broadcast %mul3A_493 : f32 to vector<16xf32>
          %mul3A_495 = arith.mulf %get3A_492, %mul3A_494 : vector<16xf32>
          %swap3A_496 = arith.index_cast %scan3A_142 : i32 to index
          %swap3A_497 = arith.constant 464 : index
          %swap3A_498 = tpu.vector_load %arg6[%swap3A_496, %swap3A_497] {strides = array<i32>} : memref<64x512xf32, #tpu.memory_space<vmem>>, vector<1x16xf32>,
          %swap3A_499 = vector.shape_cast %swap3A_498 : vector<1x16xf32> to vector<16xf32>
          %swap3A_500 = vector.shape_cast %mul3A_495 : vector<16xf32> to vector<1x16xf32>
          tpu.vector_store %arg6[%swap3A_496, %swap3A_497], %swap3A_500 {strides = array<i32>} : memref<64x512xf32, #tpu.memory_space<vmem>>, vector<1x16xf32>,
          %get3A_501 = arith.index_cast %scan3A_142 : i32 to index
          %get3A_502 = arith.constant 480 : index
          %get3A_503 = tpu.vector_load %arg6[%get3A_501, %get3A_502] {strides = array<i32>} : memref<64x512xf32, #tpu.memory_space<vmem>>, vector<1x16xf32>,
          %get3A_504 = vector.shape_cast %get3A_503 : vector<1x16xf32> to vector<16xf32>
          %mul3A_505 = arith.constant 22.6274166 : f32
          %mul3A_506 = vector.broadcast %mul3A_505 : f32 to vector<16xf32>
          %mul3A_507 = arith.mulf %get3A_504, %mul3A_506 : vector<16xf32>
          %swap3A_508 = arith.index_cast %scan3A_142 : i32 to index
          %swap3A_509 = arith.constant 480 : index
          %swap3A_510 = tpu.vector_load %arg6[%swap3A_508, %swap3A_509] {strides = array<i32>} : memref<64x512xf32, #tpu.memory_space<vmem>>, vector<1x16xf32>,
          %swap3A_511 = vector.shape_cast %swap3A_510 : vector<1x16xf32> to vector<16xf32>
          %swap3A_512 = vector.shape_cast %mul3A_507 : vector<16xf32> to vector<1x16xf32>
          tpu.vector_store %arg6[%swap3A_508, %swap3A_509], %swap3A_512 {strides = array<i32>} : memref<64x512xf32, #tpu.memory_space<vmem>>, vector<1x16xf32>,
          %get3A_513 = arith.index_cast %scan3A_142 : i32 to index
          %get3A_514 = arith.constant 496 : index
          %get3A_515 = tpu.vector_load %arg6[%get3A_513, %get3A_514] {strides = array<i32>} : memref<64x512xf32, #tpu.memory_space<vmem>>, vector<1x16xf32>,
          %get3A_516 = vector.shape_cast %get3A_515 : vector<1x16xf32> to vector<16xf32>
          %mul3A_517 = arith.constant 22.6274166 : f32
          %mul3A_518 = vector.broadcast %mul3A_517 : f32 to vector<16xf32>
          %mul3A_519 = arith.mulf %get3A_516, %mul3A_518 : vector<16xf32>
          %swap3A_520 = arith.index_cast %scan3A_142 : i32 to index
          %swap3A_521 = arith.constant 496 : index
          %swap3A_522 = tpu.vector_load %arg6[%swap3A_520, %swap3A_521] {strides = array<i32>} : memref<64x512xf32, #tpu.memory_space<vmem>>, vector<1x16xf32>,
          %swap3A_523 = vector.shape_cast %swap3A_522 : vector<1x16xf32> to vector<16xf32>
          %swap3A_524 = vector.shape_cast %mul3A_519 : vector<16xf32> to vector<1x16xf32>
          tpu.vector_store %arg6[%swap3A_520, %swap3A_521], %swap3A_524 {strides = array<i32>} : memref<64x512xf32, #tpu.memory_space<vmem>>, vector<1x16xf32>,
        }
        %scan3A_134 = arith.constant 64 : i32
        %mul3A_135 = arith.constant 64 : i32
        %mul3A_136 = arith.muli %add3A_42, %mul3A_135 : i32
        %add3A_137 = arith.addi %mul3A_2, %mul3A_136 : i32
        %dma_start3A_138 = arith.constant 0 : i32
        %dma_start3A_139 = tpu.memref_slice %arg4[%add3A_137, %dma_start3A_138] : memref<204800x512xf32, #tpu.memory_space<hbm>> -> memref<64x512xf32, #tpu.memory_space<hbm>>
        %dma_start3A_140 = arith.constant 0 : i32
        %dma_start3A_141 = tpu.memref_slice %arg4[%add3A_137, %dma_start3A_140] : memref<204800x512xf32, #tpu.memory_space<hbm>> -> memref<64x512xf32, #tpu.memory_space<hbm>>
        tpu.enqueue_dma source(%arg6 : memref<64x512xf32, #tpu.memory_space<vmem>>) target(%dma_start3A_141 : memref<64x512xf32, #tpu.memory_space<hbm>>) target_semaphore(%arg12 : memref<!tpu.dma_semaphore, #tpu.memory_space<semaphore_mem>>)
      } else {
      }
      %mul3A_63 = arith.constant 3 : i32
      %mul3A_64 = arith.muli %mul3A_63, %scan3A_38 : i32
      %add3A_65 = arith.constant 1 : i32
      %add3A_66 = arith.addi %mul3A_64, %add3A_65 : i32
      %ge3A_67 = arith.constant 1 : i32
      %ge3A_68 = arith.cmpi sge, %add3A_66, %ge3A_67 : i32
      %add3A_69 = arith.constant 3 : i32
      %add3A_70 = arith.addi %add3A_66, %add3A_69 : i32
      %sub3A_71 = arith.constant 1 : i32
      %sub3A_72 = arith.subi %add3A_70, %sub3A_71 : i32
      %lt3A_73 = arith.constant 100 : i32
      %lt3A_74 = arith.cmpi slt, %sub3A_72, %lt3A_73 : i32
      %and3A_75 = arith.andi %ge3A_68, %lt3A_74 : i1
      %convert_element_type3A_76 = arith.extui %and3A_75 : i1 to i32
      %cond3A_77 = arith.constant 0 : i32
      %cond3A_78 = arith.cmpi ne, %convert_element_type3A_76, %cond3A_77 : i32
      scf.if %cond3A_78 {
        %sub3A_123 = arith.constant 1 : i32
        %sub3A_124 = arith.subi %add3A_66, %sub3A_123 : i32
        %mul3A_125 = arith.constant 64 : i32
        %mul3A_126 = arith.muli %sub3A_124, %mul3A_125 : i32
        %add3A_127 = arith.addi %mul3A_2, %mul3A_126 : i32
        %dma_wait3A_128 = arith.constant 0 : i32
        %dma_wait3A_129 = tpu.memref_slice %arg4[%add3A_127, %dma_wait3A_128] : memref<204800x512xf32, #tpu.memory_space<hbm>> -> memref<64x512xf32, #tpu.memory_space<hbm>>
        %dma_wait3A_130 = arith.constant 0 : i32
        %dma_wait3A_131 = tpu.memref_slice %arg4[%add3A_127, %dma_wait3A_130] : memref<204800x512xf32, #tpu.memory_space<hbm>> -> memref<64x512xf32, #tpu.memory_space<hbm>>
        tpu.wait_dma2 semaphore(%arg12 : memref<!tpu.dma_semaphore, #tpu.memory_space<semaphore_mem>>) src(%arg6 : memref<64x512xf32, #tpu.memory_space<vmem>>) dst(%dma_wait3A_131 : memref<64x512xf32, #tpu.memory_space<hbm>>)
      } else {
      }
      %add3A_79 = arith.constant 3 : i32
      %add3A_80 = arith.addi %add3A_66, %add3A_79 : i32
      %sub3A_81 = arith.constant 1 : i32
      %sub3A_82 = arith.subi %add3A_80, %sub3A_81 : i32
      %lt3A_83 = arith.constant 100 : i32
      %lt3A_84 = arith.cmpi slt, %sub3A_82, %lt3A_83 : i32
      %convert_element_type3A_85 = arith.extui %lt3A_84 : i1 to i32
      %cond3A_86 = arith.constant 0 : i32
      %cond3A_87 = arith.cmpi ne, %convert_element_type3A_85, %cond3A_86 : i32
      scf.if %cond3A_87 {
        %add3A_123 = arith.constant 3 : i32
        %add3A_124 = arith.addi %add3A_66, %add3A_123 : i32
        %sub3A_125 = arith.constant 1 : i32
        %sub3A_126 = arith.subi %add3A_124, %sub3A_125 : i32
        %dma_start3A_127 = arith.constant 0 : i32
        %dma_start3A_128 = tpu.memref_slice %arg5[%sub3A_126, %dma_start3A_127] : memref<100x64xi32, #tpu.memory_space<vmem>> -> memref<1x64xi32, #tpu.memory_space<vmem>>
        %dma_start3A_129 = tpu.memref_squeeze %dma_start3A_128 : memref<1x64xi32, #tpu.memory_space<vmem>> -> memref<64xi32, #tpu.memory_space<vmem>>
        %dma_start3A_130 = arith.constant 0 : i32
        %dma_start3A_131 = arith.constant 0 : i32
        %dma_start3A_132 = tpu.memref_slice %arg3[%dma_start3A_130, %dma_start3A_131] : memref<100000x512xf32, #tpu.memory_space<hbm>> -> memref<100000x512xf32, #tpu.memory_space<hbm>>
        tpu.enqueue_indirect_dma source(%dma_start3A_132 : memref<100000x512xf32, #tpu.memory_space<hbm>>) target(%arg6 : memref<64x512xf32, #tpu.memory_space<vmem>>) offsets(%dma_start3A_129 : memref<64xi32, #tpu.memory_space<vmem>>) semaphore(%arg9 : memref<!tpu.dma_semaphore, #tpu.memory_space<semaphore_mem>>)
      } else {
      }
      %lt3A_88 = arith.constant 100 : i32
      %lt3A_89 = arith.cmpi slt, %add3A_66, %lt3A_88 : i32
      %convert_element_type3A_90 = arith.extui %lt3A_89 : i1 to i32
      %cond3A_91 = arith.constant 0 : i32
      %cond3A_92 = arith.cmpi ne, %convert_element_type3A_90, %cond3A_91 : i32
      scf.if %cond3A_92 {
        %dma_wait3A_123 = arith.constant 0 : i32
        %dma_wait3A_124 = tpu.memref_slice %arg5[%add3A_66, %dma_wait3A_123] : memref<100x64xi32, #tpu.memory_space<vmem>> -> memref<1x64xi32, #tpu.memory_space<vmem>>
        %dma_wait3A_125 = tpu.memref_squeeze %dma_wait3A_124 : memref<1x64xi32, #tpu.memory_space<vmem>> -> memref<64xi32, #tpu.memory_space<vmem>>
        %dma_wait3A_126 = arith.constant 0 : i32
        %dma_wait3A_127 = arith.constant 0 : i32
        %dma_wait3A_128 = tpu.memref_slice %arg3[%dma_wait3A_126, %dma_wait3A_127] : memref<100000x512xf32, #tpu.memory_space<hbm>> -> memref<100000x512xf32, #tpu.memory_space<hbm>>
        tpu.wait_indirect_dma semaphore(%arg10 : memref<!tpu.dma_semaphore, #tpu.memory_space<semaphore_mem>>) src(%dma_wait3A_128 : memref<100000x512xf32, #tpu.memory_space<hbm>>) dst(%arg7 : memref<64x512xf32, #tpu.memory_space<vmem>>)
        %scan3A_129 = arith.constant 0 : i32
        %scan3A_130 = arith.constant 0 : i32
        %scan3A_131 = arith.constant 64 : i32
        %scan3A_132 = arith.addi %scan3A_130, %scan3A_131 : i32
        %scan3A_133 = arith.constant 1 : i32
        scf.for %scan3A_142 = %scan3A_130 to %scan3A_132 step %scan3A_133  : i32 {
          %get3A = arith.index_cast %scan3A_142 : i32 to index
          %get3A_143 = arith.constant 0 : index
          %get3A_144 = tpu.vector_load %arg7[%get3A, %get3A_143] {strides = array<i32>} : memref<64x512xf32, #tpu.memory_space<vmem>>, vector<1x16xf32>,
          %get3A_145 = vector.shape_cast %get3A_144 : vector<1x16xf32> to vector<16xf32>
          %mul3A_146 = arith.constant 22.6274166 : f32
          %mul3A_147 = vector.broadcast %mul3A_146 : f32 to vector<16xf32>
          %mul3A_148 = arith.mulf %get3A_145, %mul3A_147 : vector<16xf32>
          %swap3A = arith.index_cast %scan3A_142 : i32 to index
          %swap3A_149 = arith.constant 0 : index
          %swap3A_150 = tpu.vector_load %arg7[%swap3A, %swap3A_149] {strides = array<i32>} : memref<64x512xf32, #tpu.memory_space<vmem>>, vector<1x16xf32>,
          %swap3A_151 = vector.shape_cast %swap3A_150 : vector<1x16xf32> to vector<16xf32>
          %swap3A_152 = vector.shape_cast %mul3A_148 : vector<16xf32> to vector<1x16xf32>
          tpu.vector_store %arg7[%swap3A, %swap3A_149], %swap3A_152 {strides = array<i32>} : memref<64x512xf32, #tpu.memory_space<vmem>>, vector<1x16xf32>,
          %get3A_153 = arith.index_cast %scan3A_142 : i32 to index
          %get3A_154 = arith.constant 16 : index
          %get3A_155 = tpu.vector_load %arg7[%get3A_153, %get3A_154] {strides = array<i32>} : memref<64x512xf32, #tpu.memory_space<vmem>>, vector<1x16xf32>,
          %get3A_156 = vector.shape_cast %get3A_155 : vector<1x16xf32> to vector<16xf32>
          %mul3A_157 = arith.constant 22.6274166 : f32
          %mul3A_158 = vector.broadcast %mul3A_157 : f32 to vector<16xf32>
          %mul3A_159 = arith.mulf %get3A_156, %mul3A_158 : vector<16xf32>
          %swap3A_160 = arith.index_cast %scan3A_142 : i32 to index
          %swap3A_161 = arith.constant 16 : index
          %swap3A_162 = tpu.vector_load %arg7[%swap3A_160, %swap3A_161] {strides = array<i32>} : memref<64x512xf32, #tpu.memory_space<vmem>>, vector<1x16xf32>,
          %swap3A_163 = vector.shape_cast %swap3A_162 : vector<1x16xf32> to vector<16xf32>
          %swap3A_164 = vector.shape_cast %mul3A_159 : vector<16xf32> to vector<1x16xf32>
          tpu.vector_store %arg7[%swap3A_160, %swap3A_161], %swap3A_164 {strides = array<i32>} : memref<64x512xf32, #tpu.memory_space<vmem>>, vector<1x16xf32>,
          %get3A_165 = arith.index_cast %scan3A_142 : i32 to index
          %get3A_166 = arith.constant 32 : index
          %get3A_167 = tpu.vector_load %arg7[%get3A_165, %get3A_166] {strides = array<i32>} : memref<64x512xf32, #tpu.memory_space<vmem>>, vector<1x16xf32>,
          %get3A_168 = vector.shape_cast %get3A_167 : vector<1x16xf32> to vector<16xf32>
          %mul3A_169 = arith.constant 22.6274166 : f32
          %mul3A_170 = vector.broadcast %mul3A_169 : f32 to vector<16xf32>
          %mul3A_171 = arith.mulf %get3A_168, %mul3A_170 : vector<16xf32>
          %swap3A_172 = arith.index_cast %scan3A_142 : i32 to index
          %swap3A_173 = arith.constant 32 : index
          %swap3A_174 = tpu.vector_load %arg7[%swap3A_172, %swap3A_173] {strides = array<i32>} : memref<64x512xf32, #tpu.memory_space<vmem>>, vector<1x16xf32>,
          %swap3A_175 = vector.shape_cast %swap3A_174 : vector<1x16xf32> to vector<16xf32>
          %swap3A_176 = vector.shape_cast %mul3A_171 : vector<16xf32> to vector<1x16xf32>
          tpu.vector_store %arg7[%swap3A_172, %swap3A_173], %swap3A_176 {strides = array<i32>} : memref<64x512xf32, #tpu.memory_space<vmem>>, vector<1x16xf32>,
          %get3A_177 = arith.index_cast %scan3A_142 : i32 to index
          %get3A_178 = arith.constant 48 : index
          %get3A_179 = tpu.vector_load %arg7[%get3A_177, %get3A_178] {strides = array<i32>} : memref<64x512xf32, #tpu.memory_space<vmem>>, vector<1x16xf32>,
          %get3A_180 = vector.shape_cast %get3A_179 : vector<1x16xf32> to vector<16xf32>
          %mul3A_181 = arith.constant 22.6274166 : f32
          %mul3A_182 = vector.broadcast %mul3A_181 : f32 to vector<16xf32>
          %mul3A_183 = arith.mulf %get3A_180, %mul3A_182 : vector<16xf32>
          %swap3A_184 = arith.index_cast %scan3A_142 : i32 to index
          %swap3A_185 = arith.constant 48 : index
          %swap3A_186 = tpu.vector_load %arg7[%swap3A_184, %swap3A_185] {strides = array<i32>} : memref<64x512xf32, #tpu.memory_space<vmem>>, vector<1x16xf32>,
          %swap3A_187 = vector.shape_cast %swap3A_186 : vector<1x16xf32> to vector<16xf32>
          %swap3A_188 = vector.shape_cast %mul3A_183 : vector<16xf32> to vector<1x16xf32>
          tpu.vector_store %arg7[%swap3A_184, %swap3A_185], %swap3A_188 {strides = array<i32>} : memref<64x512xf32, #tpu.memory_space<vmem>>, vector<1x16xf32>,
          %get3A_189 = arith.index_cast %scan3A_142 : i32 to index
          %get3A_190 = arith.constant 64 : index
          %get3A_191 = tpu.vector_load %arg7[%get3A_189, %get3A_190] {strides = array<i32>} : memref<64x512xf32, #tpu.memory_space<vmem>>, vector<1x16xf32>,
          %get3A_192 = vector.shape_cast %get3A_191 : vector<1x16xf32> to vector<16xf32>
          %mul3A_193 = arith.constant 22.6274166 : f32
          %mul3A_194 = vector.broadcast %mul3A_193 : f32 to vector<16xf32>
          %mul3A_195 = arith.mulf %get3A_192, %mul3A_194 : vector<16xf32>
          %swap3A_196 = arith.index_cast %scan3A_142 : i32 to index
          %swap3A_197 = arith.constant 64 : index
          %swap3A_198 = tpu.vector_load %arg7[%swap3A_196, %swap3A_197] {strides = array<i32>} : memref<64x512xf32, #tpu.memory_space<vmem>>, vector<1x16xf32>,
          %swap3A_199 = vector.shape_cast %swap3A_198 : vector<1x16xf32> to vector<16xf32>
          %swap3A_200 = vector.shape_cast %mul3A_195 : vector<16xf32> to vector<1x16xf32>
          tpu.vector_store %arg7[%swap3A_196, %swap3A_197], %swap3A_200 {strides = array<i32>} : memref<64x512xf32, #tpu.memory_space<vmem>>, vector<1x16xf32>,
          %get3A_201 = arith.index_cast %scan3A_142 : i32 to index
          %get3A_202 = arith.constant 80 : index
          %get3A_203 = tpu.vector_load %arg7[%get3A_201, %get3A_202] {strides = array<i32>} : memref<64x512xf32, #tpu.memory_space<vmem>>, vector<1x16xf32>,
          %get3A_204 = vector.shape_cast %get3A_203 : vector<1x16xf32> to vector<16xf32>
          %mul3A_205 = arith.constant 22.6274166 : f32
          %mul3A_206 = vector.broadcast %mul3A_205 : f32 to vector<16xf32>
          %mul3A_207 = arith.mulf %get3A_204, %mul3A_206 : vector<16xf32>
          %swap3A_208 = arith.index_cast %scan3A_142 : i32 to index
          %swap3A_209 = arith.constant 80 : index
          %swap3A_210 = tpu.vector_load %arg7[%swap3A_208, %swap3A_209] {strides = array<i32>} : memref<64x512xf32, #tpu.memory_space<vmem>>, vector<1x16xf32>,
          %swap3A_211 = vector.shape_cast %swap3A_210 : vector<1x16xf32> to vector<16xf32>
          %swap3A_212 = vector.shape_cast %mul3A_207 : vector<16xf32> to vector<1x16xf32>
          tpu.vector_store %arg7[%swap3A_208, %swap3A_209], %swap3A_212 {strides = array<i32>} : memref<64x512xf32, #tpu.memory_space<vmem>>, vector<1x16xf32>,
          %get3A_213 = arith.index_cast %scan3A_142 : i32 to index
          %get3A_214 = arith.constant 96 : index
          %get3A_215 = tpu.vector_load %arg7[%get3A_213, %get3A_214] {strides = array<i32>} : memref<64x512xf32, #tpu.memory_space<vmem>>, vector<1x16xf32>,
          %get3A_216 = vector.shape_cast %get3A_215 : vector<1x16xf32> to vector<16xf32>
          %mul3A_217 = arith.constant 22.6274166 : f32
          %mul3A_218 = vector.broadcast %mul3A_217 : f32 to vector<16xf32>
          %mul3A_219 = arith.mulf %get3A_216, %mul3A_218 : vector<16xf32>
          %swap3A_220 = arith.index_cast %scan3A_142 : i32 to index
          %swap3A_221 = arith.constant 96 : index
          %swap3A_222 = tpu.vector_load %arg7[%swap3A_220, %swap3A_221] {strides = array<i32>} : memref<64x512xf32, #tpu.memory_space<vmem>>, vector<1x16xf32>,
          %swap3A_223 = vector.shape_cast %swap3A_222 : vector<1x16xf32> to vector<16xf32>
          %swap3A_224 = vector.shape_cast %mul3A_219 : vector<16xf32> to vector<1x16xf32>
          tpu.vector_store %arg7[%swap3A_220, %swap3A_221], %swap3A_224 {strides = array<i32>} : memref<64x512xf32, #tpu.memory_space<vmem>>, vector<1x16xf32>,
          %get3A_225 = arith.index_cast %scan3A_142 : i32 to index
          %get3A_226 = arith.constant 112 : index
          %get3A_227 = tpu.vector_load %arg7[%get3A_225, %get3A_226] {strides = array<i32>} : memref<64x512xf32, #tpu.memory_space<vmem>>, vector<1x16xf32>,
          %get3A_228 = vector.shape_cast %get3A_227 : vector<1x16xf32> to vector<16xf32>
          %mul3A_229 = arith.constant 22.6274166 : f32
          %mul3A_230 = vector.broadcast %mul3A_229 : f32 to vector<16xf32>
          %mul3A_231 = arith.mulf %get3A_228, %mul3A_230 : vector<16xf32>
          %swap3A_232 = arith.index_cast %scan3A_142 : i32 to index
          %swap3A_233 = arith.constant 112 : index
          %swap3A_234 = tpu.vector_load %arg7[%swap3A_232, %swap3A_233] {strides = array<i32>} : memref<64x512xf32, #tpu.memory_space<vmem>>, vector<1x16xf32>,
          %swap3A_235 = vector.shape_cast %swap3A_234 : vector<1x16xf32> to vector<16xf32>
          %swap3A_236 = vector.shape_cast %mul3A_231 : vector<16xf32> to vector<1x16xf32>
          tpu.vector_store %arg7[%swap3A_232, %swap3A_233], %swap3A_236 {strides = array<i32>} : memref<64x512xf32, #tpu.memory_space<vmem>>, vector<1x16xf32>,
          %get3A_237 = arith.index_cast %scan3A_142 : i32 to index
          %get3A_238 = arith.constant 128 : index
          %get3A_239 = tpu.vector_load %arg7[%get3A_237, %get3A_238] {strides = array<i32>} : memref<64x512xf32, #tpu.memory_space<vmem>>, vector<1x16xf32>,
          %get3A_240 = vector.shape_cast %get3A_239 : vector<1x16xf32> to vector<16xf32>
          %mul3A_241 = arith.constant 22.6274166 : f32
          %mul3A_242 = vector.broadcast %mul3A_241 : f32 to vector<16xf32>
          %mul3A_243 = arith.mulf %get3A_240, %mul3A_242 : vector<16xf32>
          %swap3A_244 = arith.index_cast %scan3A_142 : i32 to index
          %swap3A_245 = arith.constant 128 : index
          %swap3A_246 = tpu.vector_load %arg7[%swap3A_244, %swap3A_245] {strides = array<i32>} : memref<64x512xf32, #tpu.memory_space<vmem>>, vector<1x16xf32>,
          %swap3A_247 = vector.shape_cast %swap3A_246 : vector<1x16xf32> to vector<16xf32>
          %swap3A_248 = vector.shape_cast %mul3A_243 : vector<16xf32> to vector<1x16xf32>
          tpu.vector_store %arg7[%swap3A_244, %swap3A_245], %swap3A_248 {strides = array<i32>} : memref<64x512xf32, #tpu.memory_space<vmem>>, vector<1x16xf32>,
          %get3A_249 = arith.index_cast %scan3A_142 : i32 to index
          %get3A_250 = arith.constant 144 : index
          %get3A_251 = tpu.vector_load %arg7[%get3A_249, %get3A_250] {strides = array<i32>} : memref<64x512xf32, #tpu.memory_space<vmem>>, vector<1x16xf32>,
          %get3A_252 = vector.shape_cast %get3A_251 : vector<1x16xf32> to vector<16xf32>
          %mul3A_253 = arith.constant 22.6274166 : f32
          %mul3A_254 = vector.broadcast %mul3A_253 : f32 to vector<16xf32>
          %mul3A_255 = arith.mulf %get3A_252, %mul3A_254 : vector<16xf32>
          %swap3A_256 = arith.index_cast %scan3A_142 : i32 to index
          %swap3A_257 = arith.constant 144 : index
          %swap3A_258 = tpu.vector_load %arg7[%swap3A_256, %swap3A_257] {strides = array<i32>} : memref<64x512xf32, #tpu.memory_space<vmem>>, vector<1x16xf32>,
          %swap3A_259 = vector.shape_cast %swap3A_258 : vector<1x16xf32> to vector<16xf32>
          %swap3A_260 = vector.shape_cast %mul3A_255 : vector<16xf32> to vector<1x16xf32>
          tpu.vector_store %arg7[%swap3A_256, %swap3A_257], %swap3A_260 {strides = array<i32>} : memref<64x512xf32, #tpu.memory_space<vmem>>, vector<1x16xf32>,
          %get3A_261 = arith.index_cast %scan3A_142 : i32 to index
          %get3A_262 = arith.constant 160 : index
          %get3A_263 = tpu.vector_load %arg7[%get3A_261, %get3A_262] {strides = array<i32>} : memref<64x512xf32, #tpu.memory_space<vmem>>, vector<1x16xf32>,
          %get3A_264 = vector.shape_cast %get3A_263 : vector<1x16xf32> to vector<16xf32>
          %mul3A_265 = arith.constant 22.6274166 : f32
          %mul3A_266 = vector.broadcast %mul3A_265 : f32 to vector<16xf32>
          %mul3A_267 = arith.mulf %get3A_264, %mul3A_266 : vector<16xf32>
          %swap3A_268 = arith.index_cast %scan3A_142 : i32 to index
          %swap3A_269 = arith.constant 160 : index
          %swap3A_270 = tpu.vector_load %arg7[%swap3A_268, %swap3A_269] {strides = array<i32>} : memref<64x512xf32, #tpu.memory_space<vmem>>, vector<1x16xf32>,
          %swap3A_271 = vector.shape_cast %swap3A_270 : vector<1x16xf32> to vector<16xf32>
          %swap3A_272 = vector.shape_cast %mul3A_267 : vector<16xf32> to vector<1x16xf32>
          tpu.vector_store %arg7[%swap3A_268, %swap3A_269], %swap3A_272 {strides = array<i32>} : memref<64x512xf32, #tpu.memory_space<vmem>>, vector<1x16xf32>,
          %get3A_273 = arith.index_cast %scan3A_142 : i32 to index
          %get3A_274 = arith.constant 176 : index
          %get3A_275 = tpu.vector_load %arg7[%get3A_273, %get3A_274] {strides = array<i32>} : memref<64x512xf32, #tpu.memory_space<vmem>>, vector<1x16xf32>,
          %get3A_276 = vector.shape_cast %get3A_275 : vector<1x16xf32> to vector<16xf32>
          %mul3A_277 = arith.constant 22.6274166 : f32
          %mul3A_278 = vector.broadcast %mul3A_277 : f32 to vector<16xf32>
          %mul3A_279 = arith.mulf %get3A_276, %mul3A_278 : vector<16xf32>
          %swap3A_280 = arith.index_cast %scan3A_142 : i32 to index
          %swap3A_281 = arith.constant 176 : index
          %swap3A_282 = tpu.vector_load %arg7[%swap3A_280, %swap3A_281] {strides = array<i32>} : memref<64x512xf32, #tpu.memory_space<vmem>>, vector<1x16xf32>,
          %swap3A_283 = vector.shape_cast %swap3A_282 : vector<1x16xf32> to vector<16xf32>
          %swap3A_284 = vector.shape_cast %mul3A_279 : vector<16xf32> to vector<1x16xf32>
          tpu.vector_store %arg7[%swap3A_280, %swap3A_281], %swap3A_284 {strides = array<i32>} : memref<64x512xf32, #tpu.memory_space<vmem>>, vector<1x16xf32>,
          %get3A_285 = arith.index_cast %scan3A_142 : i32 to index
          %get3A_286 = arith.constant 192 : index
          %get3A_287 = tpu.vector_load %arg7[%get3A_285, %get3A_286] {strides = array<i32>} : memref<64x512xf32, #tpu.memory_space<vmem>>, vector<1x16xf32>,
          %get3A_288 = vector.shape_cast %get3A_287 : vector<1x16xf32> to vector<16xf32>
          %mul3A_289 = arith.constant 22.6274166 : f32
          %mul3A_290 = vector.broadcast %mul3A_289 : f32 to vector<16xf32>
          %mul3A_291 = arith.mulf %get3A_288, %mul3A_290 : vector<16xf32>
          %swap3A_292 = arith.index_cast %scan3A_142 : i32 to index
          %swap3A_293 = arith.constant 192 : index
          %swap3A_294 = tpu.vector_load %arg7[%swap3A_292, %swap3A_293] {strides = array<i32>} : memref<64x512xf32, #tpu.memory_space<vmem>>, vector<1x16xf32>,
          %swap3A_295 = vector.shape_cast %swap3A_294 : vector<1x16xf32> to vector<16xf32>
          %swap3A_296 = vector.shape_cast %mul3A_291 : vector<16xf32> to vector<1x16xf32>
          tpu.vector_store %arg7[%swap3A_292, %swap3A_293], %swap3A_296 {strides = array<i32>} : memref<64x512xf32, #tpu.memory_space<vmem>>, vector<1x16xf32>,
          %get3A_297 = arith.index_cast %scan3A_142 : i32 to index
          %get3A_298 = arith.constant 208 : index
          %get3A_299 = tpu.vector_load %arg7[%get3A_297, %get3A_298] {strides = array<i32>} : memref<64x512xf32, #tpu.memory_space<vmem>>, vector<1x16xf32>,
          %get3A_300 = vector.shape_cast %get3A_299 : vector<1x16xf32> to vector<16xf32>
          %mul3A_301 = arith.constant 22.6274166 : f32
          %mul3A_302 = vector.broadcast %mul3A_301 : f32 to vector<16xf32>
          %mul3A_303 = arith.mulf %get3A_300, %mul3A_302 : vector<16xf32>
          %swap3A_304 = arith.index_cast %scan3A_142 : i32 to index
          %swap3A_305 = arith.constant 208 : index
          %swap3A_306 = tpu.vector_load %arg7[%swap3A_304, %swap3A_305] {strides = array<i32>} : memref<64x512xf32, #tpu.memory_space<vmem>>, vector<1x16xf32>,
          %swap3A_307 = vector.shape_cast %swap3A_306 : vector<1x16xf32> to vector<16xf32>
          %swap3A_308 = vector.shape_cast %mul3A_303 : vector<16xf32> to vector<1x16xf32>
          tpu.vector_store %arg7[%swap3A_304, %swap3A_305], %swap3A_308 {strides = array<i32>} : memref<64x512xf32, #tpu.memory_space<vmem>>, vector<1x16xf32>,
          %get3A_309 = arith.index_cast %scan3A_142 : i32 to index
          %get3A_310 = arith.constant 224 : index
          %get3A_311 = tpu.vector_load %arg7[%get3A_309, %get3A_310] {strides = array<i32>} : memref<64x512xf32, #tpu.memory_space<vmem>>, vector<1x16xf32>,
          %get3A_312 = vector.shape_cast %get3A_311 : vector<1x16xf32> to vector<16xf32>
          %mul3A_313 = arith.constant 22.6274166 : f32
          %mul3A_314 = vector.broadcast %mul3A_313 : f32 to vector<16xf32>
          %mul3A_315 = arith.mulf %get3A_312, %mul3A_314 : vector<16xf32>
          %swap3A_316 = arith.index_cast %scan3A_142 : i32 to index
          %swap3A_317 = arith.constant 224 : index
          %swap3A_318 = tpu.vector_load %arg7[%swap3A_316, %swap3A_317] {strides = array<i32>} : memref<64x512xf32, #tpu.memory_space<vmem>>, vector<1x16xf32>,
          %swap3A_319 = vector.shape_cast %swap3A_318 : vector<1x16xf32> to vector<16xf32>
          %swap3A_320 = vector.shape_cast %mul3A_315 : vector<16xf32> to vector<1x16xf32>
          tpu.vector_store %arg7[%swap3A_316, %swap3A_317], %swap3A_320 {strides = array<i32>} : memref<64x512xf32, #tpu.memory_space<vmem>>, vector<1x16xf32>,
          %get3A_321 = arith.index_cast %scan3A_142 : i32 to index
          %get3A_322 = arith.constant 240 : index
          %get3A_323 = tpu.vector_load %arg7[%get3A_321, %get3A_322] {strides = array<i32>} : memref<64x512xf32, #tpu.memory_space<vmem>>, vector<1x16xf32>,
          %get3A_324 = vector.shape_cast %get3A_323 : vector<1x16xf32> to vector<16xf32>
          %mul3A_325 = arith.constant 22.6274166 : f32
          %mul3A_326 = vector.broadcast %mul3A_325 : f32 to vector<16xf32>
          %mul3A_327 = arith.mulf %get3A_324, %mul3A_326 : vector<16xf32>
          %swap3A_328 = arith.index_cast %scan3A_142 : i32 to index
          %swap3A_329 = arith.constant 240 : index
          %swap3A_330 = tpu.vector_load %arg7[%swap3A_328, %swap3A_329] {strides = array<i32>} : memref<64x512xf32, #tpu.memory_space<vmem>>, vector<1x16xf32>,
          %swap3A_331 = vector.shape_cast %swap3A_330 : vector<1x16xf32> to vector<16xf32>
          %swap3A_332 = vector.shape_cast %mul3A_327 : vector<16xf32> to vector<1x16xf32>
          tpu.vector_store %arg7[%swap3A_328, %swap3A_329], %swap3A_332 {strides = array<i32>} : memref<64x512xf32, #tpu.memory_space<vmem>>, vector<1x16xf32>,
          %get3A_333 = arith.index_cast %scan3A_142 : i32 to index
          %get3A_334 = arith.constant 256 : index
          %get3A_335 = tpu.vector_load %arg7[%get3A_333, %get3A_334] {strides = array<i32>} : memref<64x512xf32, #tpu.memory_space<vmem>>, vector<1x16xf32>,
          %get3A_336 = vector.shape_cast %get3A_335 : vector<1x16xf32> to vector<16xf32>
          %mul3A_337 = arith.constant 22.6274166 : f32
          %mul3A_338 = vector.broadcast %mul3A_337 : f32 to vector<16xf32>
          %mul3A_339 = arith.mulf %get3A_336, %mul3A_338 : vector<16xf32>
          %swap3A_340 = arith.index_cast %scan3A_142 : i32 to index
          %swap3A_341 = arith.constant 256 : index
          %swap3A_342 = tpu.vector_load %arg7[%swap3A_340, %swap3A_341] {strides = array<i32>} : memref<64x512xf32, #tpu.memory_space<vmem>>, vector<1x16xf32>,
          %swap3A_343 = vector.shape_cast %swap3A_342 : vector<1x16xf32> to vector<16xf32>
          %swap3A_344 = vector.shape_cast %mul3A_339 : vector<16xf32> to vector<1x16xf32>
          tpu.vector_store %arg7[%swap3A_340, %swap3A_341], %swap3A_344 {strides = array<i32>} : memref<64x512xf32, #tpu.memory_space<vmem>>, vector<1x16xf32>,
          %get3A_345 = arith.index_cast %scan3A_142 : i32 to index
          %get3A_346 = arith.constant 272 : index
          %get3A_347 = tpu.vector_load %arg7[%get3A_345, %get3A_346] {strides = array<i32>} : memref<64x512xf32, #tpu.memory_space<vmem>>, vector<1x16xf32>,
          %get3A_348 = vector.shape_cast %get3A_347 : vector<1x16xf32> to vector<16xf32>
          %mul3A_349 = arith.constant 22.6274166 : f32
          %mul3A_350 = vector.broadcast %mul3A_349 : f32 to vector<16xf32>
          %mul3A_351 = arith.mulf %get3A_348, %mul3A_350 : vector<16xf32>
          %swap3A_352 = arith.index_cast %scan3A_142 : i32 to index
          %swap3A_353 = arith.constant 272 : index
          %swap3A_354 = tpu.vector_load %arg7[%swap3A_352, %swap3A_353] {strides = array<i32>} : memref<64x512xf32, #tpu.memory_space<vmem>>, vector<1x16xf32>,
          %swap3A_355 = vector.shape_cast %swap3A_354 : vector<1x16xf32> to vector<16xf32>
          %swap3A_356 = vector.shape_cast %mul3A_351 : vector<16xf32> to vector<1x16xf32>
          tpu.vector_store %arg7[%swap3A_352, %swap3A_353], %swap3A_356 {strides = array<i32>} : memref<64x512xf32, #tpu.memory_space<vmem>>, vector<1x16xf32>,
          %get3A_357 = arith.index_cast %scan3A_142 : i32 to index
          %get3A_358 = arith.constant 288 : index
          %get3A_359 = tpu.vector_load %arg7[%get3A_357, %get3A_358] {strides = array<i32>} : memref<64x512xf32, #tpu.memory_space<vmem>>, vector<1x16xf32>,
          %get3A_360 = vector.shape_cast %get3A_359 : vector<1x16xf32> to vector<16xf32>
          %mul3A_361 = arith.constant 22.6274166 : f32
          %mul3A_362 = vector.broadcast %mul3A_361 : f32 to vector<16xf32>
          %mul3A_363 = arith.mulf %get3A_360, %mul3A_362 : vector<16xf32>
          %swap3A_364 = arith.index_cast %scan3A_142 : i32 to index
          %swap3A_365 = arith.constant 288 : index
          %swap3A_366 = tpu.vector_load %arg7[%swap3A_364, %swap3A_365] {strides = array<i32>} : memref<64x512xf32, #tpu.memory_space<vmem>>, vector<1x16xf32>,
          %swap3A_367 = vector.shape_cast %swap3A_366 : vector<1x16xf32> to vector<16xf32>
          %swap3A_368 = vector.shape_cast %mul3A_363 : vector<16xf32> to vector<1x16xf32>
          tpu.vector_store %arg7[%swap3A_364, %swap3A_365], %swap3A_368 {strides = array<i32>} : memref<64x512xf32, #tpu.memory_space<vmem>>, vector<1x16xf32>,
          %get3A_369 = arith.index_cast %scan3A_142 : i32 to index
          %get3A_370 = arith.constant 304 : index
          %get3A_371 = tpu.vector_load %arg7[%get3A_369, %get3A_370] {strides = array<i32>} : memref<64x512xf32, #tpu.memory_space<vmem>>, vector<1x16xf32>,
          %get3A_372 = vector.shape_cast %get3A_371 : vector<1x16xf32> to vector<16xf32>
          %mul3A_373 = arith.constant 22.6274166 : f32
          %mul3A_374 = vector.broadcast %mul3A_373 : f32 to vector<16xf32>
          %mul3A_375 = arith.mulf %get3A_372, %mul3A_374 : vector<16xf32>
          %swap3A_376 = arith.index_cast %scan3A_142 : i32 to index
          %swap3A_377 = arith.constant 304 : index
          %swap3A_378 = tpu.vector_load %arg7[%swap3A_376, %swap3A_377] {strides = array<i32>} : memref<64x512xf32, #tpu.memory_space<vmem>>, vector<1x16xf32>,
          %swap3A_379 = vector.shape_cast %swap3A_378 : vector<1x16xf32> to vector<16xf32>
          %swap3A_380 = vector.shape_cast %mul3A_375 : vector<16xf32> to vector<1x16xf32>
          tpu.vector_store %arg7[%swap3A_376, %swap3A_377], %swap3A_380 {strides = array<i32>} : memref<64x512xf32, #tpu.memory_space<vmem>>, vector<1x16xf32>,
          %get3A_381 = arith.index_cast %scan3A_142 : i32 to index
          %get3A_382 = arith.constant 320 : index
          %get3A_383 = tpu.vector_load %arg7[%get3A_381, %get3A_382] {strides = array<i32>} : memref<64x512xf32, #tpu.memory_space<vmem>>, vector<1x16xf32>,
          %get3A_384 = vector.shape_cast %get3A_383 : vector<1x16xf32> to vector<16xf32>
          %mul3A_385 = arith.constant 22.6274166 : f32
          %mul3A_386 = vector.broadcast %mul3A_385 : f32 to vector<16xf32>
          %mul3A_387 = arith.mulf %get3A_384, %mul3A_386 : vector<16xf32>
          %swap3A_388 = arith.index_cast %scan3A_142 : i32 to index
          %swap3A_389 = arith.constant 320 : index
          %swap3A_390 = tpu.vector_load %arg7[%swap3A_388, %swap3A_389] {strides = array<i32>} : memref<64x512xf32, #tpu.memory_space<vmem>>, vector<1x16xf32>,
          %swap3A_391 = vector.shape_cast %swap3A_390 : vector<1x16xf32> to vector<16xf32>
          %swap3A_392 = vector.shape_cast %mul3A_387 : vector<16xf32> to vector<1x16xf32>
          tpu.vector_store %arg7[%swap3A_388, %swap3A_389], %swap3A_392 {strides = array<i32>} : memref<64x512xf32, #tpu.memory_space<vmem>>, vector<1x16xf32>,
          %get3A_393 = arith.index_cast %scan3A_142 : i32 to index
          %get3A_394 = arith.constant 336 : index
          %get3A_395 = tpu.vector_load %arg7[%get3A_393, %get3A_394] {strides = array<i32>} : memref<64x512xf32, #tpu.memory_space<vmem>>, vector<1x16xf32>,
          %get3A_396 = vector.shape_cast %get3A_395 : vector<1x16xf32> to vector<16xf32>
          %mul3A_397 = arith.constant 22.6274166 : f32
          %mul3A_398 = vector.broadcast %mul3A_397 : f32 to vector<16xf32>
          %mul3A_399 = arith.mulf %get3A_396, %mul3A_398 : vector<16xf32>
          %swap3A_400 = arith.index_cast %scan3A_142 : i32 to index
          %swap3A_401 = arith.constant 336 : index
          %swap3A_402 = tpu.vector_load %arg7[%swap3A_400, %swap3A_401] {strides = array<i32>} : memref<64x512xf32, #tpu.memory_space<vmem>>, vector<1x16xf32>,
          %swap3A_403 = vector.shape_cast %swap3A_402 : vector<1x16xf32> to vector<16xf32>
          %swap3A_404 = vector.shape_cast %mul3A_399 : vector<16xf32> to vector<1x16xf32>
          tpu.vector_store %arg7[%swap3A_400, %swap3A_401], %swap3A_404 {strides = array<i32>} : memref<64x512xf32, #tpu.memory_space<vmem>>, vector<1x16xf32>,
          %get3A_405 = arith.index_cast %scan3A_142 : i32 to index
          %get3A_406 = arith.constant 352 : index
          %get3A_407 = tpu.vector_load %arg7[%get3A_405, %get3A_406] {strides = array<i32>} : memref<64x512xf32, #tpu.memory_space<vmem>>, vector<1x16xf32>,
          %get3A_408 = vector.shape_cast %get3A_407 : vector<1x16xf32> to vector<16xf32>
          %mul3A_409 = arith.constant 22.6274166 : f32
          %mul3A_410 = vector.broadcast %mul3A_409 : f32 to vector<16xf32>
          %mul3A_411 = arith.mulf %get3A_408, %mul3A_410 : vector<16xf32>
          %swap3A_412 = arith.index_cast %scan3A_142 : i32 to index
          %swap3A_413 = arith.constant 352 : index
          %swap3A_414 = tpu.vector_load %arg7[%swap3A_412, %swap3A_413] {strides = array<i32>} : memref<64x512xf32, #tpu.memory_space<vmem>>, vector<1x16xf32>,
          %swap3A_415 = vector.shape_cast %swap3A_414 : vector<1x16xf32> to vector<16xf32>
          %swap3A_416 = vector.shape_cast %mul3A_411 : vector<16xf32> to vector<1x16xf32>
          tpu.vector_store %arg7[%swap3A_412, %swap3A_413], %swap3A_416 {strides = array<i32>} : memref<64x512xf32, #tpu.memory_space<vmem>>, vector<1x16xf32>,
          %get3A_417 = arith.index_cast %scan3A_142 : i32 to index
          %get3A_418 = arith.constant 368 : index
          %get3A_419 = tpu.vector_load %arg7[%get3A_417, %get3A_418] {strides = array<i32>} : memref<64x512xf32, #tpu.memory_space<vmem>>, vector<1x16xf32>,
          %get3A_420 = vector.shape_cast %get3A_419 : vector<1x16xf32> to vector<16xf32>
          %mul3A_421 = arith.constant 22.6274166 : f32
          %mul3A_422 = vector.broadcast %mul3A_421 : f32 to vector<16xf32>
          %mul3A_423 = arith.mulf %get3A_420, %mul3A_422 : vector<16xf32>
          %swap3A_424 = arith.index_cast %scan3A_142 : i32 to index
          %swap3A_425 = arith.constant 368 : index
          %swap3A_426 = tpu.vector_load %arg7[%swap3A_424, %swap3A_425] {strides = array<i32>} : memref<64x512xf32, #tpu.memory_space<vmem>>, vector<1x16xf32>,
          %swap3A_427 = vector.shape_cast %swap3A_426 : vector<1x16xf32> to vector<16xf32>
          %swap3A_428 = vector.shape_cast %mul3A_423 : vector<16xf32> to vector<1x16xf32>
          tpu.vector_store %arg7[%swap3A_424, %swap3A_425], %swap3A_428 {strides = array<i32>} : memref<64x512xf32, #tpu.memory_space<vmem>>, vector<1x16xf32>,
          %get3A_429 = arith.index_cast %scan3A_142 : i32 to index
          %get3A_430 = arith.constant 384 : index
          %get3A_431 = tpu.vector_load %arg7[%get3A_429, %get3A_430] {strides = array<i32>} : memref<64x512xf32, #tpu.memory_space<vmem>>, vector<1x16xf32>,
          %get3A_432 = vector.shape_cast %get3A_431 : vector<1x16xf32> to vector<16xf32>
          %mul3A_433 = arith.constant 22.6274166 : f32
          %mul3A_434 = vector.broadcast %mul3A_433 : f32 to vector<16xf32>
          %mul3A_435 = arith.mulf %get3A_432, %mul3A_434 : vector<16xf32>
          %swap3A_436 = arith.index_cast %scan3A_142 : i32 to index
          %swap3A_437 = arith.constant 384 : index
          %swap3A_438 = tpu.vector_load %arg7[%swap3A_436, %swap3A_437] {strides = array<i32>} : memref<64x512xf32, #tpu.memory_space<vmem>>, vector<1x16xf32>,
          %swap3A_439 = vector.shape_cast %swap3A_438 : vector<1x16xf32> to vector<16xf32>
          %swap3A_440 = vector.shape_cast %mul3A_435 : vector<16xf32> to vector<1x16xf32>
          tpu.vector_store %arg7[%swap3A_436, %swap3A_437], %swap3A_440 {strides = array<i32>} : memref<64x512xf32, #tpu.memory_space<vmem>>, vector<1x16xf32>,
          %get3A_441 = arith.index_cast %scan3A_142 : i32 to index
          %get3A_442 = arith.constant 400 : index
          %get3A_443 = tpu.vector_load %arg7[%get3A_441, %get3A_442] {strides = array<i32>} : memref<64x512xf32, #tpu.memory_space<vmem>>, vector<1x16xf32>,
          %get3A_444 = vector.shape_cast %get3A_443 : vector<1x16xf32> to vector<16xf32>
          %mul3A_445 = arith.constant 22.6274166 : f32
          %mul3A_446 = vector.broadcast %mul3A_445 : f32 to vector<16xf32>
          %mul3A_447 = arith.mulf %get3A_444, %mul3A_446 : vector<16xf32>
          %swap3A_448 = arith.index_cast %scan3A_142 : i32 to index
          %swap3A_449 = arith.constant 400 : index
          %swap3A_450 = tpu.vector_load %arg7[%swap3A_448, %swap3A_449] {strides = array<i32>} : memref<64x512xf32, #tpu.memory_space<vmem>>, vector<1x16xf32>,
          %swap3A_451 = vector.shape_cast %swap3A_450 : vector<1x16xf32> to vector<16xf32>
          %swap3A_452 = vector.shape_cast %mul3A_447 : vector<16xf32> to vector<1x16xf32>
          tpu.vector_store %arg7[%swap3A_448, %swap3A_449], %swap3A_452 {strides = array<i32>} : memref<64x512xf32, #tpu.memory_space<vmem>>, vector<1x16xf32>,
          %get3A_453 = arith.index_cast %scan3A_142 : i32 to index
          %get3A_454 = arith.constant 416 : index
          %get3A_455 = tpu.vector_load %arg7[%get3A_453, %get3A_454] {strides = array<i32>} : memref<64x512xf32, #tpu.memory_space<vmem>>, vector<1x16xf32>,
          %get3A_456 = vector.shape_cast %get3A_455 : vector<1x16xf32> to vector<16xf32>
          %mul3A_457 = arith.constant 22.6274166 : f32
          %mul3A_458 = vector.broadcast %mul3A_457 : f32 to vector<16xf32>
          %mul3A_459 = arith.mulf %get3A_456, %mul3A_458 : vector<16xf32>
          %swap3A_460 = arith.index_cast %scan3A_142 : i32 to index
          %swap3A_461 = arith.constant 416 : index
          %swap3A_462 = tpu.vector_load %arg7[%swap3A_460, %swap3A_461] {strides = array<i32>} : memref<64x512xf32, #tpu.memory_space<vmem>>, vector<1x16xf32>,
          %swap3A_463 = vector.shape_cast %swap3A_462 : vector<1x16xf32> to vector<16xf32>
          %swap3A_464 = vector.shape_cast %mul3A_459 : vector<16xf32> to vector<1x16xf32>
          tpu.vector_store %arg7[%swap3A_460, %swap3A_461], %swap3A_464 {strides = array<i32>} : memref<64x512xf32, #tpu.memory_space<vmem>>, vector<1x16xf32>,
          %get3A_465 = arith.index_cast %scan3A_142 : i32 to index
          %get3A_466 = arith.constant 432 : index
          %get3A_467 = tpu.vector_load %arg7[%get3A_465, %get3A_466] {strides = array<i32>} : memref<64x512xf32, #tpu.memory_space<vmem>>, vector<1x16xf32>,
          %get3A_468 = vector.shape_cast %get3A_467 : vector<1x16xf32> to vector<16xf32>
          %mul3A_469 = arith.constant 22.6274166 : f32
          %mul3A_470 = vector.broadcast %mul3A_469 : f32 to vector<16xf32>
          %mul3A_471 = arith.mulf %get3A_468, %mul3A_470 : vector<16xf32>
          %swap3A_472 = arith.index_cast %scan3A_142 : i32 to index
          %swap3A_473 = arith.constant 432 : index
          %swap3A_474 = tpu.vector_load %arg7[%swap3A_472, %swap3A_473] {strides = array<i32>} : memref<64x512xf32, #tpu.memory_space<vmem>>, vector<1x16xf32>,
          %swap3A_475 = vector.shape_cast %swap3A_474 : vector<1x16xf32> to vector<16xf32>
          %swap3A_476 = vector.shape_cast %mul3A_471 : vector<16xf32> to vector<1x16xf32>
          tpu.vector_store %arg7[%swap3A_472, %swap3A_473], %swap3A_476 {strides = array<i32>} : memref<64x512xf32, #tpu.memory_space<vmem>>, vector<1x16xf32>,
          %get3A_477 = arith.index_cast %scan3A_142 : i32 to index
          %get3A_478 = arith.constant 448 : index
          %get3A_479 = tpu.vector_load %arg7[%get3A_477, %get3A_478] {strides = array<i32>} : memref<64x512xf32, #tpu.memory_space<vmem>>, vector<1x16xf32>,
          %get3A_480 = vector.shape_cast %get3A_479 : vector<1x16xf32> to vector<16xf32>
          %mul3A_481 = arith.constant 22.6274166 : f32
          %mul3A_482 = vector.broadcast %mul3A_481 : f32 to vector<16xf32>
          %mul3A_483 = arith.mulf %get3A_480, %mul3A_482 : vector<16xf32>
          %swap3A_484 = arith.index_cast %scan3A_142 : i32 to index
          %swap3A_485 = arith.constant 448 : index
          %swap3A_486 = tpu.vector_load %arg7[%swap3A_484, %swap3A_485] {strides = array<i32>} : memref<64x512xf32, #tpu.memory_space<vmem>>, vector<1x16xf32>,
          %swap3A_487 = vector.shape_cast %swap3A_486 : vector<1x16xf32> to vector<16xf32>
          %swap3A_488 = vector.shape_cast %mul3A_483 : vector<16xf32> to vector<1x16xf32>
          tpu.vector_store %arg7[%swap3A_484, %swap3A_485], %swap3A_488 {strides = array<i32>} : memref<64x512xf32, #tpu.memory_space<vmem>>, vector<1x16xf32>,
          %get3A_489 = arith.index_cast %scan3A_142 : i32 to index
          %get3A_490 = arith.constant 464 : index
          %get3A_491 = tpu.vector_load %arg7[%get3A_489, %get3A_490] {strides = array<i32>} : memref<64x512xf32, #tpu.memory_space<vmem>>, vector<1x16xf32>,
          %get3A_492 = vector.shape_cast %get3A_491 : vector<1x16xf32> to vector<16xf32>
          %mul3A_493 = arith.constant 22.6274166 : f32
          %mul3A_494 = vector.broadcast %mul3A_493 : f32 to vector<16xf32>
          %mul3A_495 = arith.mulf %get3A_492, %mul3A_494 : vector<16xf32>
          %swap3A_496 = arith.index_cast %scan3A_142 : i32 to index
          %swap3A_497 = arith.constant 464 : index
          %swap3A_498 = tpu.vector_load %arg7[%swap3A_496, %swap3A_497] {strides = array<i32>} : memref<64x512xf32, #tpu.memory_space<vmem>>, vector<1x16xf32>,
          %swap3A_499 = vector.shape_cast %swap3A_498 : vector<1x16xf32> to vector<16xf32>
          %swap3A_500 = vector.shape_cast %mul3A_495 : vector<16xf32> to vector<1x16xf32>
          tpu.vector_store %arg7[%swap3A_496, %swap3A_497], %swap3A_500 {strides = array<i32>} : memref<64x512xf32, #tpu.memory_space<vmem>>, vector<1x16xf32>,
          %get3A_501 = arith.index_cast %scan3A_142 : i32 to index
          %get3A_502 = arith.constant 480 : index
          %get3A_503 = tpu.vector_load %arg7[%get3A_501, %get3A_502] {strides = array<i32>} : memref<64x512xf32, #tpu.memory_space<vmem>>, vector<1x16xf32>,
          %get3A_504 = vector.shape_cast %get3A_503 : vector<1x16xf32> to vector<16xf32>
          %mul3A_505 = arith.constant 22.6274166 : f32
          %mul3A_506 = vector.broadcast %mul3A_505 : f32 to vector<16xf32>
          %mul3A_507 = arith.mulf %get3A_504, %mul3A_506 : vector<16xf32>
          %swap3A_508 = arith.index_cast %scan3A_142 : i32 to index
          %swap3A_509 = arith.constant 480 : index
          %swap3A_510 = tpu.vector_load %arg7[%swap3A_508, %swap3A_509] {strides = array<i32>} : memref<64x512xf32, #tpu.memory_space<vmem>>, vector<1x16xf32>,
          %swap3A_511 = vector.shape_cast %swap3A_510 : vector<1x16xf32> to vector<16xf32>
          %swap3A_512 = vector.shape_cast %mul3A_507 : vector<16xf32> to vector<1x16xf32>
          tpu.vector_store %arg7[%swap3A_508, %swap3A_509], %swap3A_512 {strides = array<i32>} : memref<64x512xf32, #tpu.memory_space<vmem>>, vector<1x16xf32>,
          %get3A_513 = arith.index_cast %scan3A_142 : i32 to index
          %get3A_514 = arith.constant 496 : index
          %get3A_515 = tpu.vector_load %arg7[%get3A_513, %get3A_514] {strides = array<i32>} : memref<64x512xf32, #tpu.memory_space<vmem>>, vector<1x16xf32>,
          %get3A_516 = vector.shape_cast %get3A_515 : vector<1x16xf32> to vector<16xf32>
          %mul3A_517 = arith.constant 22.6274166 : f32
          %mul3A_518 = vector.broadcast %mul3A_517 : f32 to vector<16xf32>
          %mul3A_519 = arith.mulf %get3A_516, %mul3A_518 : vector<16xf32>
          %swap3A_520 = arith.index_cast %scan3A_142 : i32 to index
          %swap3A_521 = arith.constant 496 : index
          %swap3A_522 = tpu.vector_load %arg7[%swap3A_520, %swap3A_521] {strides = array<i32>} : memref<64x512xf32, #tpu.memory_space<vmem>>, vector<1x16xf32>,
          %swap3A_523 = vector.shape_cast %swap3A_522 : vector<1x16xf32> to vector<16xf32>
          %swap3A_524 = vector.shape_cast %mul3A_519 : vector<16xf32> to vector<1x16xf32>
          tpu.vector_store %arg7[%swap3A_520, %swap3A_521], %swap3A_524 {strides = array<i32>} : memref<64x512xf32, #tpu.memory_space<vmem>>, vector<1x16xf32>,
        }
        %scan3A_134 = arith.constant 64 : i32
        %mul3A_135 = arith.constant 64 : i32
        %mul3A_136 = arith.muli %add3A_66, %mul3A_135 : i32
        %add3A_137 = arith.addi %mul3A_2, %mul3A_136 : i32
        %dma_start3A_138 = arith.constant 0 : i32
        %dma_start3A_139 = tpu.memref_slice %arg4[%add3A_137, %dma_start3A_138] : memref<204800x512xf32, #tpu.memory_space<hbm>> -> memref<64x512xf32, #tpu.memory_space<hbm>>
        %dma_start3A_140 = arith.constant 0 : i32
        %dma_start3A_141 = tpu.memref_slice %arg4[%add3A_137, %dma_start3A_140] : memref<204800x512xf32, #tpu.memory_space<hbm>> -> memref<64x512xf32, #tpu.memory_space<hbm>>
        tpu.enqueue_dma source(%arg7 : memref<64x512xf32, #tpu.memory_space<vmem>>) target(%dma_start3A_141 : memref<64x512xf32, #tpu.memory_space<hbm>>) target_semaphore(%arg13 : memref<!tpu.dma_semaphore, #tpu.memory_space<semaphore_mem>>)
      } else {
      }
      %mul3A_93 = arith.constant 3 : i32
      %mul3A_94 = arith.muli %mul3A_93, %scan3A_38 : i32
      %add3A_95 = arith.constant 2 : i32
      %add3A_96 = arith.addi %mul3A_94, %add3A_95 : i32
      %ge3A_97 = arith.constant 1 : i32
      %ge3A_98 = arith.cmpi sge, %add3A_96, %ge3A_97 : i32
      %add3A_99 = arith.constant 3 : i32
      %add3A_100 = arith.addi %add3A_96, %add3A_99 : i32
      %sub3A_101 = arith.constant 1 : i32
      %sub3A_102 = arith.subi %add3A_100, %sub3A_101 : i32
      %lt3A_103 = arith.constant 100 : i32
      %lt3A_104 = arith.cmpi slt, %sub3A_102, %lt3A_103 : i32
      %and3A_105 = arith.andi %ge3A_98, %lt3A_104 : i1
      %convert_element_type3A_106 = arith.extui %and3A_105 : i1 to i32
      %cond3A_107 = arith.constant 0 : i32
      %cond3A_108 = arith.cmpi ne, %convert_element_type3A_106, %cond3A_107 : i32
      scf.if %cond3A_108 {
        %sub3A_123 = arith.constant 1 : i32
        %sub3A_124 = arith.subi %add3A_96, %sub3A_123 : i32
        %mul3A_125 = arith.constant 64 : i32
        %mul3A_126 = arith.muli %sub3A_124, %mul3A_125 : i32
        %add3A_127 = arith.addi %mul3A_2, %mul3A_126 : i32
        %dma_wait3A_128 = arith.constant 0 : i32
        %dma_wait3A_129 = tpu.memref_slice %arg4[%add3A_127, %dma_wait3A_128] : memref<204800x512xf32, #tpu.memory_space<hbm>> -> memref<64x512xf32, #tpu.memory_space<hbm>>
        %dma_wait3A_130 = arith.constant 0 : i32
        %dma_wait3A_131 = tpu.memref_slice %arg4[%add3A_127, %dma_wait3A_130] : memref<204800x512xf32, #tpu.memory_space<hbm>> -> memref<64x512xf32, #tpu.memory_space<hbm>>
        tpu.wait_dma2 semaphore(%arg13 : memref<!tpu.dma_semaphore, #tpu.memory_space<semaphore_mem>>) src(%arg7 : memref<64x512xf32, #tpu.memory_space<vmem>>) dst(%dma_wait3A_131 : memref<64x512xf32, #tpu.memory_space<hbm>>)
      } else {
      }
      %add3A_109 = arith.constant 3 : i32
      %add3A_110 = arith.addi %add3A_96, %add3A_109 : i32
      %sub3A_111 = arith.constant 1 : i32
      %sub3A_112 = arith.subi %add3A_110, %sub3A_111 : i32
      %lt3A_113 = arith.constant 100 : i32
      %lt3A_114 = arith.cmpi slt, %sub3A_112, %lt3A_113 : i32
      %convert_element_type3A_115 = arith.extui %lt3A_114 : i1 to i32
      %cond3A_116 = arith.constant 0 : i32
      %cond3A_117 = arith.cmpi ne, %convert_element_type3A_115, %cond3A_116 : i32
      scf.if %cond3A_117 {
        %add3A_123 = arith.constant 3 : i32
        %add3A_124 = arith.addi %add3A_96, %add3A_123 : i32
        %sub3A_125 = arith.constant 1 : i32
        %sub3A_126 = arith.subi %add3A_124, %sub3A_125 : i32
        %dma_start3A_127 = arith.constant 0 : i32
        %dma_start3A_128 = tpu.memref_slice %arg5[%sub3A_126, %dma_start3A_127] : memref<100x64xi32, #tpu.memory_space<vmem>> -> memref<1x64xi32, #tpu.memory_space<vmem>>
        %dma_start3A_129 = tpu.memref_squeeze %dma_start3A_128 : memref<1x64xi32, #tpu.memory_space<vmem>> -> memref<64xi32, #tpu.memory_space<vmem>>
        %dma_start3A_130 = arith.constant 0 : i32
        %dma_start3A_131 = arith.constant 0 : i32
        %dma_start3A_132 = tpu.memref_slice %arg3[%dma_start3A_130, %dma_start3A_131] : memref<100000x512xf32, #tpu.memory_space<hbm>> -> memref<100000x512xf32, #tpu.memory_space<hbm>>
        tpu.enqueue_indirect_dma source(%dma_start3A_132 : memref<100000x512xf32, #tpu.memory_space<hbm>>) target(%arg7 : memref<64x512xf32, #tpu.memory_space<vmem>>) offsets(%dma_start3A_129 : memref<64xi32, #tpu.memory_space<vmem>>) semaphore(%arg10 : memref<!tpu.dma_semaphore, #tpu.memory_space<semaphore_mem>>)
      } else {
      }
      %lt3A_118 = arith.constant 100 : i32
      %lt3A_119 = arith.cmpi slt, %add3A_96, %lt3A_118 : i32
      %convert_element_type3A_120 = arith.extui %lt3A_119 : i1 to i32
      %cond3A_121 = arith.constant 0 : i32
      %cond3A_122 = arith.cmpi ne, %convert_element_type3A_120, %cond3A_121 : i32
      scf.if %cond3A_122 {
        %dma_wait3A_123 = arith.constant 0 : i32
        %dma_wait3A_124 = tpu.memref_slice %arg5[%add3A_96, %dma_wait3A_123] : memref<100x64xi32, #tpu.memory_space<vmem>> -> memref<1x64xi32, #tpu.memory_space<vmem>>
        %dma_wait3A_125 = tpu.memref_squeeze %dma_wait3A_124 : memref<1x64xi32, #tpu.memory_space<vmem>> -> memref<64xi32, #tpu.memory_space<vmem>>
        %dma_wait3A_126 = arith.constant 0 : i32
        %dma_wait3A_127 = arith.constant 0 : i32
        %dma_wait3A_128 = tpu.memref_slice %arg3[%dma_wait3A_126, %dma_wait3A_127] : memref<100000x512xf32, #tpu.memory_space<hbm>> -> memref<100000x512xf32, #tpu.memory_space<hbm>>
        tpu.wait_indirect_dma semaphore(%arg11 : memref<!tpu.dma_semaphore, #tpu.memory_space<semaphore_mem>>) src(%dma_wait3A_128 : memref<100000x512xf32, #tpu.memory_space<hbm>>) dst(%arg8 : memref<64x512xf32, #tpu.memory_space<vmem>>)
        %scan3A_129 = arith.constant 0 : i32
        %scan3A_130 = arith.constant 0 : i32
        %scan3A_131 = arith.constant 64 : i32
        %scan3A_132 = arith.addi %scan3A_130, %scan3A_131 : i32
        %scan3A_133 = arith.constant 1 : i32
        scf.for %scan3A_142 = %scan3A_130 to %scan3A_132 step %scan3A_133  : i32 {
          %get3A = arith.index_cast %scan3A_142 : i32 to index
          %get3A_143 = arith.constant 0 : index
          %get3A_144 = tpu.vector_load %arg8[%get3A, %get3A_143] {strides = array<i32>} : memref<64x512xf32, #tpu.memory_space<vmem>>, vector<1x16xf32>,
          %get3A_145 = vector.shape_cast %get3A_144 : vector<1x16xf32> to vector<16xf32>
          %mul3A_146 = arith.constant 22.6274166 : f32
          %mul3A_147 = vector.broadcast %mul3A_146 : f32 to vector<16xf32>
          %mul3A_148 = arith.mulf %get3A_145, %mul3A_147 : vector<16xf32>
          %swap3A = arith.index_cast %scan3A_142 : i32 to index
          %swap3A_149 = arith.constant 0 : index
          %swap3A_150 = tpu.vector_load %arg8[%swap3A, %swap3A_149] {strides = array<i32>} : memref<64x512xf32, #tpu.memory_space<vmem>>, vector<1x16xf32>,
          %swap3A_151 = vector.shape_cast %swap3A_150 : vector<1x16xf32> to vector<16xf32>
          %swap3A_152 = vector.shape_cast %mul3A_148 : vector<16xf32> to vector<1x16xf32>
          tpu.vector_store %arg8[%swap3A, %swap3A_149], %swap3A_152 {strides = array<i32>} : memref<64x512xf32, #tpu.memory_space<vmem>>, vector<1x16xf32>,
          %get3A_153 = arith.index_cast %scan3A_142 : i32 to index
          %get3A_154 = arith.constant 16 : index
          %get3A_155 = tpu.vector_load %arg8[%get3A_153, %get3A_154] {strides = array<i32>} : memref<64x512xf32, #tpu.memory_space<vmem>>, vector<1x16xf32>,
          %get3A_156 = vector.shape_cast %get3A_155 : vector<1x16xf32> to vector<16xf32>
          %mul3A_157 = arith.constant 22.6274166 : f32
          %mul3A_158 = vector.broadcast %mul3A_157 : f32 to vector<16xf32>
          %mul3A_159 = arith.mulf %get3A_156, %mul3A_158 : vector<16xf32>
          %swap3A_160 = arith.index_cast %scan3A_142 : i32 to index
          %swap3A_161 = arith.constant 16 : index
          %swap3A_162 = tpu.vector_load %arg8[%swap3A_160, %swap3A_161] {strides = array<i32>} : memref<64x512xf32, #tpu.memory_space<vmem>>, vector<1x16xf32>,
          %swap3A_163 = vector.shape_cast %swap3A_162 : vector<1x16xf32> to vector<16xf32>
          %swap3A_164 = vector.shape_cast %mul3A_159 : vector<16xf32> to vector<1x16xf32>
          tpu.vector_store %arg8[%swap3A_160, %swap3A_161], %swap3A_164 {strides = array<i32>} : memref<64x512xf32, #tpu.memory_space<vmem>>, vector<1x16xf32>,
          %get3A_165 = arith.index_cast %scan3A_142 : i32 to index
          %get3A_166 = arith.constant 32 : index
          %get3A_167 = tpu.vector_load %arg8[%get3A_165, %get3A_166] {strides = array<i32>} : memref<64x512xf32, #tpu.memory_space<vmem>>, vector<1x16xf32>,
          %get3A_168 = vector.shape_cast %get3A_167 : vector<1x16xf32> to vector<16xf32>
          %mul3A_169 = arith.constant 22.6274166 : f32
          %mul3A_170 = vector.broadcast %mul3A_169 : f32 to vector<16xf32>
          %mul3A_171 = arith.mulf %get3A_168, %mul3A_170 : vector<16xf32>
          %swap3A_172 = arith.index_cast %scan3A_142 : i32 to index
          %swap3A_173 = arith.constant 32 : index
          %swap3A_174 = tpu.vector_load %arg8[%swap3A_172, %swap3A_173] {strides = array<i32>} : memref<64x512xf32, #tpu.memory_space<vmem>>, vector<1x16xf32>,
          %swap3A_175 = vector.shape_cast %swap3A_174 : vector<1x16xf32> to vector<16xf32>
          %swap3A_176 = vector.shape_cast %mul3A_171 : vector<16xf32> to vector<1x16xf32>
          tpu.vector_store %arg8[%swap3A_172, %swap3A_173], %swap3A_176 {strides = array<i32>} : memref<64x512xf32, #tpu.memory_space<vmem>>, vector<1x16xf32>,
          %get3A_177 = arith.index_cast %scan3A_142 : i32 to index
          %get3A_178 = arith.constant 48 : index
          %get3A_179 = tpu.vector_load %arg8[%get3A_177, %get3A_178] {strides = array<i32>} : memref<64x512xf32, #tpu.memory_space<vmem>>, vector<1x16xf32>,
          %get3A_180 = vector.shape_cast %get3A_179 : vector<1x16xf32> to vector<16xf32>
          %mul3A_181 = arith.constant 22.6274166 : f32
          %mul3A_182 = vector.broadcast %mul3A_181 : f32 to vector<16xf32>
          %mul3A_183 = arith.mulf %get3A_180, %mul3A_182 : vector<16xf32>
          %swap3A_184 = arith.index_cast %scan3A_142 : i32 to index
          %swap3A_185 = arith.constant 48 : index
          %swap3A_186 = tpu.vector_load %arg8[%swap3A_184, %swap3A_185] {strides = array<i32>} : memref<64x512xf32, #tpu.memory_space<vmem>>, vector<1x16xf32>,
          %swap3A_187 = vector.shape_cast %swap3A_186 : vector<1x16xf32> to vector<16xf32>
          %swap3A_188 = vector.shape_cast %mul3A_183 : vector<16xf32> to vector<1x16xf32>
          tpu.vector_store %arg8[%swap3A_184, %swap3A_185], %swap3A_188 {strides = array<i32>} : memref<64x512xf32, #tpu.memory_space<vmem>>, vector<1x16xf32>,
          %get3A_189 = arith.index_cast %scan3A_142 : i32 to index
          %get3A_190 = arith.constant 64 : index
          %get3A_191 = tpu.vector_load %arg8[%get3A_189, %get3A_190] {strides = array<i32>} : memref<64x512xf32, #tpu.memory_space<vmem>>, vector<1x16xf32>,
          %get3A_192 = vector.shape_cast %get3A_191 : vector<1x16xf32> to vector<16xf32>
          %mul3A_193 = arith.constant 22.6274166 : f32
          %mul3A_194 = vector.broadcast %mul3A_193 : f32 to vector<16xf32>
          %mul3A_195 = arith.mulf %get3A_192, %mul3A_194 : vector<16xf32>
          %swap3A_196 = arith.index_cast %scan3A_142 : i32 to index
          %swap3A_197 = arith.constant 64 : index
          %swap3A_198 = tpu.vector_load %arg8[%swap3A_196, %swap3A_197] {strides = array<i32>} : memref<64x512xf32, #tpu.memory_space<vmem>>, vector<1x16xf32>,
          %swap3A_199 = vector.shape_cast %swap3A_198 : vector<1x16xf32> to vector<16xf32>
          %swap3A_200 = vector.shape_cast %mul3A_195 : vector<16xf32> to vector<1x16xf32>
          tpu.vector_store %arg8[%swap3A_196, %swap3A_197], %swap3A_200 {strides = array<i32>} : memref<64x512xf32, #tpu.memory_space<vmem>>, vector<1x16xf32>,
          %get3A_201 = arith.index_cast %scan3A_142 : i32 to index
          %get3A_202 = arith.constant 80 : index
          %get3A_203 = tpu.vector_load %arg8[%get3A_201, %get3A_202] {strides = array<i32>} : memref<64x512xf32, #tpu.memory_space<vmem>>, vector<1x16xf32>,
          %get3A_204 = vector.shape_cast %get3A_203 : vector<1x16xf32> to vector<16xf32>
          %mul3A_205 = arith.constant 22.6274166 : f32
          %mul3A_206 = vector.broadcast %mul3A_205 : f32 to vector<16xf32>
          %mul3A_207 = arith.mulf %get3A_204, %mul3A_206 : vector<16xf32>
          %swap3A_208 = arith.index_cast %scan3A_142 : i32 to index
          %swap3A_209 = arith.constant 80 : index
          %swap3A_210 = tpu.vector_load %arg8[%swap3A_208, %swap3A_209] {strides = array<i32>} : memref<64x512xf32, #tpu.memory_space<vmem>>, vector<1x16xf32>,
          %swap3A_211 = vector.shape_cast %swap3A_210 : vector<1x16xf32> to vector<16xf32>
          %swap3A_212 = vector.shape_cast %mul3A_207 : vector<16xf32> to vector<1x16xf32>
          tpu.vector_store %arg8[%swap3A_208, %swap3A_209], %swap3A_212 {strides = array<i32>} : memref<64x512xf32, #tpu.memory_space<vmem>>, vector<1x16xf32>,
          %get3A_213 = arith.index_cast %scan3A_142 : i32 to index
          %get3A_214 = arith.constant 96 : index
          %get3A_215 = tpu.vector_load %arg8[%get3A_213, %get3A_214] {strides = array<i32>} : memref<64x512xf32, #tpu.memory_space<vmem>>, vector<1x16xf32>,
          %get3A_216 = vector.shape_cast %get3A_215 : vector<1x16xf32> to vector<16xf32>
          %mul3A_217 = arith.constant 22.6274166 : f32
          %mul3A_218 = vector.broadcast %mul3A_217 : f32 to vector<16xf32>
          %mul3A_219 = arith.mulf %get3A_216, %mul3A_218 : vector<16xf32>
          %swap3A_220 = arith.index_cast %scan3A_142 : i32 to index
          %swap3A_221 = arith.constant 96 : index
          %swap3A_222 = tpu.vector_load %arg8[%swap3A_220, %swap3A_221] {strides = array<i32>} : memref<64x512xf32, #tpu.memory_space<vmem>>, vector<1x16xf32>,
          %swap3A_223 = vector.shape_cast %swap3A_222 : vector<1x16xf32> to vector<16xf32>
          %swap3A_224 = vector.shape_cast %mul3A_219 : vector<16xf32> to vector<1x16xf32>
          tpu.vector_store %arg8[%swap3A_220, %swap3A_221], %swap3A_224 {strides = array<i32>} : memref<64x512xf32, #tpu.memory_space<vmem>>, vector<1x16xf32>,
          %get3A_225 = arith.index_cast %scan3A_142 : i32 to index
          %get3A_226 = arith.constant 112 : index
          %get3A_227 = tpu.vector_load %arg8[%get3A_225, %get3A_226] {strides = array<i32>} : memref<64x512xf32, #tpu.memory_space<vmem>>, vector<1x16xf32>,
          %get3A_228 = vector.shape_cast %get3A_227 : vector<1x16xf32> to vector<16xf32>
          %mul3A_229 = arith.constant 22.6274166 : f32
          %mul3A_230 = vector.broadcast %mul3A_229 : f32 to vector<16xf32>
          %mul3A_231 = arith.mulf %get3A_228, %mul3A_230 : vector<16xf32>
          %swap3A_232 = arith.index_cast %scan3A_142 : i32 to index
          %swap3A_233 = arith.constant 112 : index
          %swap3A_234 = tpu.vector_load %arg8[%swap3A_232, %swap3A_233] {strides = array<i32>} : memref<64x512xf32, #tpu.memory_space<vmem>>, vector<1x16xf32>,
          %swap3A_235 = vector.shape_cast %swap3A_234 : vector<1x16xf32> to vector<16xf32>
          %swap3A_236 = vector.shape_cast %mul3A_231 : vector<16xf32> to vector<1x16xf32>
          tpu.vector_store %arg8[%swap3A_232, %swap3A_233], %swap3A_236 {strides = array<i32>} : memref<64x512xf32, #tpu.memory_space<vmem>>, vector<1x16xf32>,
          %get3A_237 = arith.index_cast %scan3A_142 : i32 to index
          %get3A_238 = arith.constant 128 : index
          %get3A_239 = tpu.vector_load %arg8[%get3A_237, %get3A_238] {strides = array<i32>} : memref<64x512xf32, #tpu.memory_space<vmem>>, vector<1x16xf32>,
          %get3A_240 = vector.shape_cast %get3A_239 : vector<1x16xf32> to vector<16xf32>
          %mul3A_241 = arith.constant 22.6274166 : f32
          %mul3A_242 = vector.broadcast %mul3A_241 : f32 to vector<16xf32>
          %mul3A_243 = arith.mulf %get3A_240, %mul3A_242 : vector<16xf32>
          %swap3A_244 = arith.index_cast %scan3A_142 : i32 to index
          %swap3A_245 = arith.constant 128 : index
          %swap3A_246 = tpu.vector_load %arg8[%swap3A_244, %swap3A_245] {strides = array<i32>} : memref<64x512xf32, #tpu.memory_space<vmem>>, vector<1x16xf32>,
          %swap3A_247 = vector.shape_cast %swap3A_246 : vector<1x16xf32> to vector<16xf32>
          %swap3A_248 = vector.shape_cast %mul3A_243 : vector<16xf32> to vector<1x16xf32>
          tpu.vector_store %arg8[%swap3A_244, %swap3A_245], %swap3A_248 {strides = array<i32>} : memref<64x512xf32, #tpu.memory_space<vmem>>, vector<1x16xf32>,
          %get3A_249 = arith.index_cast %scan3A_142 : i32 to index
          %get3A_250 = arith.constant 144 : index
          %get3A_251 = tpu.vector_load %arg8[%get3A_249, %get3A_250] {strides = array<i32>} : memref<64x512xf32, #tpu.memory_space<vmem>>, vector<1x16xf32>,
          %get3A_252 = vector.shape_cast %get3A_251 : vector<1x16xf32> to vector<16xf32>
          %mul3A_253 = arith.constant 22.6274166 : f32
          %mul3A_254 = vector.broadcast %mul3A_253 : f32 to vector<16xf32>
          %mul3A_255 = arith.mulf %get3A_252, %mul3A_254 : vector<16xf32>
          %swap3A_256 = arith.index_cast %scan3A_142 : i32 to index
          %swap3A_257 = arith.constant 144 : index
          %swap3A_258 = tpu.vector_load %arg8[%swap3A_256, %swap3A_257] {strides = array<i32>} : memref<64x512xf32, #tpu.memory_space<vmem>>, vector<1x16xf32>,
          %swap3A_259 = vector.shape_cast %swap3A_258 : vector<1x16xf32> to vector<16xf32>
          %swap3A_260 = vector.shape_cast %mul3A_255 : vector<16xf32> to vector<1x16xf32>
          tpu.vector_store %arg8[%swap3A_256, %swap3A_257], %swap3A_260 {strides = array<i32>} : memref<64x512xf32, #tpu.memory_space<vmem>>, vector<1x16xf32>,
          %get3A_261 = arith.index_cast %scan3A_142 : i32 to index
          %get3A_262 = arith.constant 160 : index
          %get3A_263 = tpu.vector_load %arg8[%get3A_261, %get3A_262] {strides = array<i32>} : memref<64x512xf32, #tpu.memory_space<vmem>>, vector<1x16xf32>,
          %get3A_264 = vector.shape_cast %get3A_263 : vector<1x16xf32> to vector<16xf32>
          %mul3A_265 = arith.constant 22.6274166 : f32
          %mul3A_266 = vector.broadcast %mul3A_265 : f32 to vector<16xf32>
          %mul3A_267 = arith.mulf %get3A_264, %mul3A_266 : vector<16xf32>
          %swap3A_268 = arith.index_cast %scan3A_142 : i32 to index
          %swap3A_269 = arith.constant 160 : index
          %swap3A_270 = tpu.vector_load %arg8[%swap3A_268, %swap3A_269] {strides = array<i32>} : memref<64x512xf32, #tpu.memory_space<vmem>>, vector<1x16xf32>,
          %swap3A_271 = vector.shape_cast %swap3A_270 : vector<1x16xf32> to vector<16xf32>
          %swap3A_272 = vector.shape_cast %mul3A_267 : vector<16xf32> to vector<1x16xf32>
          tpu.vector_store %arg8[%swap3A_268, %swap3A_269], %swap3A_272 {strides = array<i32>} : memref<64x512xf32, #tpu.memory_space<vmem>>, vector<1x16xf32>,
          %get3A_273 = arith.index_cast %scan3A_142 : i32 to index
          %get3A_274 = arith.constant 176 : index
          %get3A_275 = tpu.vector_load %arg8[%get3A_273, %get3A_274] {strides = array<i32>} : memref<64x512xf32, #tpu.memory_space<vmem>>, vector<1x16xf32>,
          %get3A_276 = vector.shape_cast %get3A_275 : vector<1x16xf32> to vector<16xf32>
          %mul3A_277 = arith.constant 22.6274166 : f32
          %mul3A_278 = vector.broadcast %mul3A_277 : f32 to vector<16xf32>
          %mul3A_279 = arith.mulf %get3A_276, %mul3A_278 : vector<16xf32>
          %swap3A_280 = arith.index_cast %scan3A_142 : i32 to index
          %swap3A_281 = arith.constant 176 : index
          %swap3A_282 = tpu.vector_load %arg8[%swap3A_280, %swap3A_281] {strides = array<i32>} : memref<64x512xf32, #tpu.memory_space<vmem>>, vector<1x16xf32>,
          %swap3A_283 = vector.shape_cast %swap3A_282 : vector<1x16xf32> to vector<16xf32>
          %swap3A_284 = vector.shape_cast %mul3A_279 : vector<16xf32> to vector<1x16xf32>
          tpu.vector_store %arg8[%swap3A_280, %swap3A_281], %swap3A_284 {strides = array<i32>} : memref<64x512xf32, #tpu.memory_space<vmem>>, vector<1x16xf32>,
          %get3A_285 = arith.index_cast %scan3A_142 : i32 to index
          %get3A_286 = arith.constant 192 : index
          %get3A_287 = tpu.vector_load %arg8[%get3A_285, %get3A_286] {strides = array<i32>} : memref<64x512xf32, #tpu.memory_space<vmem>>, vector<1x16xf32>,
          %get3A_288 = vector.shape_cast %get3A_287 : vector<1x16xf32> to vector<16xf32>
          %mul3A_289 = arith.constant 22.6274166 : f32
          %mul3A_290 = vector.broadcast %mul3A_289 : f32 to vector<16xf32>
          %mul3A_291 = arith.mulf %get3A_288, %mul3A_290 : vector<16xf32>
          %swap3A_292 = arith.index_cast %scan3A_142 : i32 to index
          %swap3A_293 = arith.constant 192 : index
          %swap3A_294 = tpu.vector_load %arg8[%swap3A_292, %swap3A_293] {strides = array<i32>} : memref<64x512xf32, #tpu.memory_space<vmem>>, vector<1x16xf32>,
          %swap3A_295 = vector.shape_cast %swap3A_294 : vector<1x16xf32> to vector<16xf32>
          %swap3A_296 = vector.shape_cast %mul3A_291 : vector<16xf32> to vector<1x16xf32>
          tpu.vector_store %arg8[%swap3A_292, %swap3A_293], %swap3A_296 {strides = array<i32>} : memref<64x512xf32, #tpu.memory_space<vmem>>, vector<1x16xf32>,
          %get3A_297 = arith.index_cast %scan3A_142 : i32 to index
          %get3A_298 = arith.constant 208 : index
          %get3A_299 = tpu.vector_load %arg8[%get3A_297, %get3A_298] {strides = array<i32>} : memref<64x512xf32, #tpu.memory_space<vmem>>, vector<1x16xf32>,
          %get3A_300 = vector.shape_cast %get3A_299 : vector<1x16xf32> to vector<16xf32>
          %mul3A_301 = arith.constant 22.6274166 : f32
          %mul3A_302 = vector.broadcast %mul3A_301 : f32 to vector<16xf32>
          %mul3A_303 = arith.mulf %get3A_300, %mul3A_302 : vector<16xf32>
          %swap3A_304 = arith.index_cast %scan3A_142 : i32 to index
          %swap3A_305 = arith.constant 208 : index
          %swap3A_306 = tpu.vector_load %arg8[%swap3A_304, %swap3A_305] {strides = array<i32>} : memref<64x512xf32, #tpu.memory_space<vmem>>, vector<1x16xf32>,
          %swap3A_307 = vector.shape_cast %swap3A_306 : vector<1x16xf32> to vector<16xf32>
          %swap3A_308 = vector.shape_cast %mul3A_303 : vector<16xf32> to vector<1x16xf32>
          tpu.vector_store %arg8[%swap3A_304, %swap3A_305], %swap3A_308 {strides = array<i32>} : memref<64x512xf32, #tpu.memory_space<vmem>>, vector<1x16xf32>,
          %get3A_309 = arith.index_cast %scan3A_142 : i32 to index
          %get3A_310 = arith.constant 224 : index
          %get3A_311 = tpu.vector_load %arg8[%get3A_309, %get3A_310] {strides = array<i32>} : memref<64x512xf32, #tpu.memory_space<vmem>>, vector<1x16xf32>,
          %get3A_312 = vector.shape_cast %get3A_311 : vector<1x16xf32> to vector<16xf32>
          %mul3A_313 = arith.constant 22.6274166 : f32
          %mul3A_314 = vector.broadcast %mul3A_313 : f32 to vector<16xf32>
          %mul3A_315 = arith.mulf %get3A_312, %mul3A_314 : vector<16xf32>
          %swap3A_316 = arith.index_cast %scan3A_142 : i32 to index
          %swap3A_317 = arith.constant 224 : index
          %swap3A_318 = tpu.vector_load %arg8[%swap3A_316, %swap3A_317] {strides = array<i32>} : memref<64x512xf32, #tpu.memory_space<vmem>>, vector<1x16xf32>,
          %swap3A_319 = vector.shape_cast %swap3A_318 : vector<1x16xf32> to vector<16xf32>
          %swap3A_320 = vector.shape_cast %mul3A_315 : vector<16xf32> to vector<1x16xf32>
          tpu.vector_store %arg8[%swap3A_316, %swap3A_317], %swap3A_320 {strides = array<i32>} : memref<64x512xf32, #tpu.memory_space<vmem>>, vector<1x16xf32>,
          %get3A_321 = arith.index_cast %scan3A_142 : i32 to index
          %get3A_322 = arith.constant 240 : index
          %get3A_323 = tpu.vector_load %arg8[%get3A_321, %get3A_322] {strides = array<i32>} : memref<64x512xf32, #tpu.memory_space<vmem>>, vector<1x16xf32>,
          %get3A_324 = vector.shape_cast %get3A_323 : vector<1x16xf32> to vector<16xf32>
          %mul3A_325 = arith.constant 22.6274166 : f32
          %mul3A_326 = vector.broadcast %mul3A_325 : f32 to vector<16xf32>
          %mul3A_327 = arith.mulf %get3A_324, %mul3A_326 : vector<16xf32>
          %swap3A_328 = arith.index_cast %scan3A_142 : i32 to index
          %swap3A_329 = arith.constant 240 : index
          %swap3A_330 = tpu.vector_load %arg8[%swap3A_328, %swap3A_329] {strides = array<i32>} : memref<64x512xf32, #tpu.memory_space<vmem>>, vector<1x16xf32>,
          %swap3A_331 = vector.shape_cast %swap3A_330 : vector<1x16xf32> to vector<16xf32>
          %swap3A_332 = vector.shape_cast %mul3A_327 : vector<16xf32> to vector<1x16xf32>
          tpu.vector_store %arg8[%swap3A_328, %swap3A_329], %swap3A_332 {strides = array<i32>} : memref<64x512xf32, #tpu.memory_space<vmem>>, vector<1x16xf32>,
          %get3A_333 = arith.index_cast %scan3A_142 : i32 to index
          %get3A_334 = arith.constant 256 : index
          %get3A_335 = tpu.vector_load %arg8[%get3A_333, %get3A_334] {strides = array<i32>} : memref<64x512xf32, #tpu.memory_space<vmem>>, vector<1x16xf32>,
          %get3A_336 = vector.shape_cast %get3A_335 : vector<1x16xf32> to vector<16xf32>
          %mul3A_337 = arith.constant 22.6274166 : f32
          %mul3A_338 = vector.broadcast %mul3A_337 : f32 to vector<16xf32>
          %mul3A_339 = arith.mulf %get3A_336, %mul3A_338 : vector<16xf32>
          %swap3A_340 = arith.index_cast %scan3A_142 : i32 to index
          %swap3A_341 = arith.constant 256 : index
          %swap3A_342 = tpu.vector_load %arg8[%swap3A_340, %swap3A_341] {strides = array<i32>} : memref<64x512xf32, #tpu.memory_space<vmem>>, vector<1x16xf32>,
          %swap3A_343 = vector.shape_cast %swap3A_342 : vector<1x16xf32> to vector<16xf32>
          %swap3A_344 = vector.shape_cast %mul3A_339 : vector<16xf32> to vector<1x16xf32>
          tpu.vector_store %arg8[%swap3A_340, %swap3A_341], %swap3A_344 {strides = array<i32>} : memref<64x512xf32, #tpu.memory_space<vmem>>, vector<1x16xf32>,
          %get3A_345 = arith.index_cast %scan3A_142 : i32 to index
          %get3A_346 = arith.constant 272 : index
          %get3A_347 = tpu.vector_load %arg8[%get3A_345, %get3A_346] {strides = array<i32>} : memref<64x512xf32, #tpu.memory_space<vmem>>, vector<1x16xf32>,
          %get3A_348 = vector.shape_cast %get3A_347 : vector<1x16xf32> to vector<16xf32>
          %mul3A_349 = arith.constant 22.6274166 : f32
          %mul3A_350 = vector.broadcast %mul3A_349 : f32 to vector<16xf32>
          %mul3A_351 = arith.mulf %get3A_348, %mul3A_350 : vector<16xf32>
          %swap3A_352 = arith.index_cast %scan3A_142 : i32 to index
          %swap3A_353 = arith.constant 272 : index
          %swap3A_354 = tpu.vector_load %arg8[%swap3A_352, %swap3A_353] {strides = array<i32>} : memref<64x512xf32, #tpu.memory_space<vmem>>, vector<1x16xf32>,
          %swap3A_355 = vector.shape_cast %swap3A_354 : vector<1x16xf32> to vector<16xf32>
          %swap3A_356 = vector.shape_cast %mul3A_351 : vector<16xf32> to vector<1x16xf32>
          tpu.vector_store %arg8[%swap3A_352, %swap3A_353], %swap3A_356 {strides = array<i32>} : memref<64x512xf32, #tpu.memory_space<vmem>>, vector<1x16xf32>,
          %get3A_357 = arith.index_cast %scan3A_142 : i32 to index
          %get3A_358 = arith.constant 288 : index
          %get3A_359 = tpu.vector_load %arg8[%get3A_357, %get3A_358] {strides = array<i32>} : memref<64x512xf32, #tpu.memory_space<vmem>>, vector<1x16xf32>,
          %get3A_360 = vector.shape_cast %get3A_359 : vector<1x16xf32> to vector<16xf32>
          %mul3A_361 = arith.constant 22.6274166 : f32
          %mul3A_362 = vector.broadcast %mul3A_361 : f32 to vector<16xf32>
          %mul3A_363 = arith.mulf %get3A_360, %mul3A_362 : vector<16xf32>
          %swap3A_364 = arith.index_cast %scan3A_142 : i32 to index
          %swap3A_365 = arith.constant 288 : index
          %swap3A_366 = tpu.vector_load %arg8[%swap3A_364, %swap3A_365] {strides = array<i32>} : memref<64x512xf32, #tpu.memory_space<vmem>>, vector<1x16xf32>,
          %swap3A_367 = vector.shape_cast %swap3A_366 : vector<1x16xf32> to vector<16xf32>
          %swap3A_368 = vector.shape_cast %mul3A_363 : vector<16xf32> to vector<1x16xf32>
          tpu.vector_store %arg8[%swap3A_364, %swap3A_365], %swap3A_368 {strides = array<i32>} : memref<64x512xf32, #tpu.memory_space<vmem>>, vector<1x16xf32>,
          %get3A_369 = arith.index_cast %scan3A_142 : i32 to index
          %get3A_370 = arith.constant 304 : index
          %get3A_371 = tpu.vector_load %arg8[%get3A_369, %get3A_370] {strides = array<i32>} : memref<64x512xf32, #tpu.memory_space<vmem>>, vector<1x16xf32>,
          %get3A_372 = vector.shape_cast %get3A_371 : vector<1x16xf32> to vector<16xf32>
          %mul3A_373 = arith.constant 22.6274166 : f32
          %mul3A_374 = vector.broadcast %mul3A_373 : f32 to vector<16xf32>
          %mul3A_375 = arith.mulf %get3A_372, %mul3A_374 : vector<16xf32>
          %swap3A_376 = arith.index_cast %scan3A_142 : i32 to index
          %swap3A_377 = arith.constant 304 : index
          %swap3A_378 = tpu.vector_load %arg8[%swap3A_376, %swap3A_377] {strides = array<i32>} : memref<64x512xf32, #tpu.memory_space<vmem>>, vector<1x16xf32>,
          %swap3A_379 = vector.shape_cast %swap3A_378 : vector<1x16xf32> to vector<16xf32>
          %swap3A_380 = vector.shape_cast %mul3A_375 : vector<16xf32> to vector<1x16xf32>
          tpu.vector_store %arg8[%swap3A_376, %swap3A_377], %swap3A_380 {strides = array<i32>} : memref<64x512xf32, #tpu.memory_space<vmem>>, vector<1x16xf32>,
          %get3A_381 = arith.index_cast %scan3A_142 : i32 to index
          %get3A_382 = arith.constant 320 : index
          %get3A_383 = tpu.vector_load %arg8[%get3A_381, %get3A_382] {strides = array<i32>} : memref<64x512xf32, #tpu.memory_space<vmem>>, vector<1x16xf32>,
          %get3A_384 = vector.shape_cast %get3A_383 : vector<1x16xf32> to vector<16xf32>
          %mul3A_385 = arith.constant 22.6274166 : f32
          %mul3A_386 = vector.broadcast %mul3A_385 : f32 to vector<16xf32>
          %mul3A_387 = arith.mulf %get3A_384, %mul3A_386 : vector<16xf32>
          %swap3A_388 = arith.index_cast %scan3A_142 : i32 to index
          %swap3A_389 = arith.constant 320 : index
          %swap3A_390 = tpu.vector_load %arg8[%swap3A_388, %swap3A_389] {strides = array<i32>} : memref<64x512xf32, #tpu.memory_space<vmem>>, vector<1x16xf32>,
          %swap3A_391 = vector.shape_cast %swap3A_390 : vector<1x16xf32> to vector<16xf32>
          %swap3A_392 = vector.shape_cast %mul3A_387 : vector<16xf32> to vector<1x16xf32>
          tpu.vector_store %arg8[%swap3A_388, %swap3A_389], %swap3A_392 {strides = array<i32>} : memref<64x512xf32, #tpu.memory_space<vmem>>, vector<1x16xf32>,
          %get3A_393 = arith.index_cast %scan3A_142 : i32 to index
          %get3A_394 = arith.constant 336 : index
          %get3A_395 = tpu.vector_load %arg8[%get3A_393, %get3A_394] {strides = array<i32>} : memref<64x512xf32, #tpu.memory_space<vmem>>, vector<1x16xf32>,
          %get3A_396 = vector.shape_cast %get3A_395 : vector<1x16xf32> to vector<16xf32>
          %mul3A_397 = arith.constant 22.6274166 : f32
          %mul3A_398 = vector.broadcast %mul3A_397 : f32 to vector<16xf32>
          %mul3A_399 = arith.mulf %get3A_396, %mul3A_398 : vector<16xf32>
          %swap3A_400 = arith.index_cast %scan3A_142 : i32 to index
          %swap3A_401 = arith.constant 336 : index
          %swap3A_402 = tpu.vector_load %arg8[%swap3A_400, %swap3A_401] {strides = array<i32>} : memref<64x512xf32, #tpu.memory_space<vmem>>, vector<1x16xf32>,
          %swap3A_403 = vector.shape_cast %swap3A_402 : vector<1x16xf32> to vector<16xf32>
          %swap3A_404 = vector.shape_cast %mul3A_399 : vector<16xf32> to vector<1x16xf32>
          tpu.vector_store %arg8[%swap3A_400, %swap3A_401], %swap3A_404 {strides = array<i32>} : memref<64x512xf32, #tpu.memory_space<vmem>>, vector<1x16xf32>,
          %get3A_405 = arith.index_cast %scan3A_142 : i32 to index
          %get3A_406 = arith.constant 352 : index
          %get3A_407 = tpu.vector_load %arg8[%get3A_405, %get3A_406] {strides = array<i32>} : memref<64x512xf32, #tpu.memory_space<vmem>>, vector<1x16xf32>,
          %get3A_408 = vector.shape_cast %get3A_407 : vector<1x16xf32> to vector<16xf32>
          %mul3A_409 = arith.constant 22.6274166 : f32
          %mul3A_410 = vector.broadcast %mul3A_409 : f32 to vector<16xf32>
          %mul3A_411 = arith.mulf %get3A_408, %mul3A_410 : vector<16xf32>
          %swap3A_412 = arith.index_cast %scan3A_142 : i32 to index
          %swap3A_413 = arith.constant 352 : index
          %swap3A_414 = tpu.vector_load %arg8[%swap3A_412, %swap3A_413] {strides = array<i32>} : memref<64x512xf32, #tpu.memory_space<vmem>>, vector<1x16xf32>,
          %swap3A_415 = vector.shape_cast %swap3A_414 : vector<1x16xf32> to vector<16xf32>
          %swap3A_416 = vector.shape_cast %mul3A_411 : vector<16xf32> to vector<1x16xf32>
          tpu.vector_store %arg8[%swap3A_412, %swap3A_413], %swap3A_416 {strides = array<i32>} : memref<64x512xf32, #tpu.memory_space<vmem>>, vector<1x16xf32>,
          %get3A_417 = arith.index_cast %scan3A_142 : i32 to index
          %get3A_418 = arith.constant 368 : index
          %get3A_419 = tpu.vector_load %arg8[%get3A_417, %get3A_418] {strides = array<i32>} : memref<64x512xf32, #tpu.memory_space<vmem>>, vector<1x16xf32>,
          %get3A_420 = vector.shape_cast %get3A_419 : vector<1x16xf32> to vector<16xf32>
          %mul3A_421 = arith.constant 22.6274166 : f32
          %mul3A_422 = vector.broadcast %mul3A_421 : f32 to vector<16xf32>
          %mul3A_423 = arith.mulf %get3A_420, %mul3A_422 : vector<16xf32>
          %swap3A_424 = arith.index_cast %scan3A_142 : i32 to index
          %swap3A_425 = arith.constant 368 : index
          %swap3A_426 = tpu.vector_load %arg8[%swap3A_424, %swap3A_425] {strides = array<i32>} : memref<64x512xf32, #tpu.memory_space<vmem>>, vector<1x16xf32>,
          %swap3A_427 = vector.shape_cast %swap3A_426 : vector<1x16xf32> to vector<16xf32>
          %swap3A_428 = vector.shape_cast %mul3A_423 : vector<16xf32> to vector<1x16xf32>
          tpu.vector_store %arg8[%swap3A_424, %swap3A_425], %swap3A_428 {strides = array<i32>} : memref<64x512xf32, #tpu.memory_space<vmem>>, vector<1x16xf32>,
          %get3A_429 = arith.index_cast %scan3A_142 : i32 to index
          %get3A_430 = arith.constant 384 : index
          %get3A_431 = tpu.vector_load %arg8[%get3A_429, %get3A_430] {strides = array<i32>} : memref<64x512xf32, #tpu.memory_space<vmem>>, vector<1x16xf32>,
          %get3A_432 = vector.shape_cast %get3A_431 : vector<1x16xf32> to vector<16xf32>
          %mul3A_433 = arith.constant 22.6274166 : f32
          %mul3A_434 = vector.broadcast %mul3A_433 : f32 to vector<16xf32>
          %mul3A_435 = arith.mulf %get3A_432, %mul3A_434 : vector<16xf32>
          %swap3A_436 = arith.index_cast %scan3A_142 : i32 to index
          %swap3A_437 = arith.constant 384 : index
          %swap3A_438 = tpu.vector_load %arg8[%swap3A_436, %swap3A_437] {strides = array<i32>} : memref<64x512xf32, #tpu.memory_space<vmem>>, vector<1x16xf32>,
          %swap3A_439 = vector.shape_cast %swap3A_438 : vector<1x16xf32> to vector<16xf32>
          %swap3A_440 = vector.shape_cast %mul3A_435 : vector<16xf32> to vector<1x16xf32>
          tpu.vector_store %arg8[%swap3A_436, %swap3A_437], %swap3A_440 {strides = array<i32>} : memref<64x512xf32, #tpu.memory_space<vmem>>, vector<1x16xf32>,
          %get3A_441 = arith.index_cast %scan3A_142 : i32 to index
          %get3A_442 = arith.constant 400 : index
          %get3A_443 = tpu.vector_load %arg8[%get3A_441, %get3A_442] {strides = array<i32>} : memref<64x512xf32, #tpu.memory_space<vmem>>, vector<1x16xf32>,
          %get3A_444 = vector.shape_cast %get3A_443 : vector<1x16xf32> to vector<16xf32>
          %mul3A_445 = arith.constant 22.6274166 : f32
          %mul3A_446 = vector.broadcast %mul3A_445 : f32 to vector<16xf32>
          %mul3A_447 = arith.mulf %get3A_444, %mul3A_446 : vector<16xf32>
          %swap3A_448 = arith.index_cast %scan3A_142 : i32 to index
          %swap3A_449 = arith.constant 400 : index
          %swap3A_450 = tpu.vector_load %arg8[%swap3A_448, %swap3A_449] {strides = array<i32>} : memref<64x512xf32, #tpu.memory_space<vmem>>, vector<1x16xf32>,
          %swap3A_451 = vector.shape_cast %swap3A_450 : vector<1x16xf32> to vector<16xf32>
          %swap3A_452 = vector.shape_cast %mul3A_447 : vector<16xf32> to vector<1x16xf32>
          tpu.vector_store %arg8[%swap3A_448, %swap3A_449], %swap3A_452 {strides = array<i32>} : memref<64x512xf32, #tpu.memory_space<vmem>>, vector<1x16xf32>,
          %get3A_453 = arith.index_cast %scan3A_142 : i32 to index
          %get3A_454 = arith.constant 416 : index
          %get3A_455 = tpu.vector_load %arg8[%get3A_453, %get3A_454] {strides = array<i32>} : memref<64x512xf32, #tpu.memory_space<vmem>>, vector<1x16xf32>,
          %get3A_456 = vector.shape_cast %get3A_455 : vector<1x16xf32> to vector<16xf32>
          %mul3A_457 = arith.constant 22.6274166 : f32
          %mul3A_458 = vector.broadcast %mul3A_457 : f32 to vector<16xf32>
          %mul3A_459 = arith.mulf %get3A_456, %mul3A_458 : vector<16xf32>
          %swap3A_460 = arith.index_cast %scan3A_142 : i32 to index
          %swap3A_461 = arith.constant 416 : index
          %swap3A_462 = tpu.vector_load %arg8[%swap3A_460, %swap3A_461] {strides = array<i32>} : memref<64x512xf32, #tpu.memory_space<vmem>>, vector<1x16xf32>,
          %swap3A_463 = vector.shape_cast %swap3A_462 : vector<1x16xf32> to vector<16xf32>
          %swap3A_464 = vector.shape_cast %mul3A_459 : vector<16xf32> to vector<1x16xf32>
          tpu.vector_store %arg8[%swap3A_460, %swap3A_461], %swap3A_464 {strides = array<i32>} : memref<64x512xf32, #tpu.memory_space<vmem>>, vector<1x16xf32>,
          %get3A_465 = arith.index_cast %scan3A_142 : i32 to index
          %get3A_466 = arith.constant 432 : index
          %get3A_467 = tpu.vector_load %arg8[%get3A_465, %get3A_466] {strides = array<i32>} : memref<64x512xf32, #tpu.memory_space<vmem>>, vector<1x16xf32>,
          %get3A_468 = vector.shape_cast %get3A_467 : vector<1x16xf32> to vector<16xf32>
          %mul3A_469 = arith.constant 22.6274166 : f32
          %mul3A_470 = vector.broadcast %mul3A_469 : f32 to vector<16xf32>
          %mul3A_471 = arith.mulf %get3A_468, %mul3A_470 : vector<16xf32>
          %swap3A_472 = arith.index_cast %scan3A_142 : i32 to index
          %swap3A_473 = arith.constant 432 : index
          %swap3A_474 = tpu.vector_load %arg8[%swap3A_472, %swap3A_473] {strides = array<i32>} : memref<64x512xf32, #tpu.memory_space<vmem>>, vector<1x16xf32>,
          %swap3A_475 = vector.shape_cast %swap3A_474 : vector<1x16xf32> to vector<16xf32>
          %swap3A_476 = vector.shape_cast %mul3A_471 : vector<16xf32> to vector<1x16xf32>
          tpu.vector_store %arg8[%swap3A_472, %swap3A_473], %swap3A_476 {strides = array<i32>} : memref<64x512xf32, #tpu.memory_space<vmem>>, vector<1x16xf32>,
          %get3A_477 = arith.index_cast %scan3A_142 : i32 to index
          %get3A_478 = arith.constant 448 : index
          %get3A_479 = tpu.vector_load %arg8[%get3A_477, %get3A_478] {strides = array<i32>} : memref<64x512xf32, #tpu.memory_space<vmem>>, vector<1x16xf32>,
          %get3A_480 = vector.shape_cast %get3A_479 : vector<1x16xf32> to vector<16xf32>
          %mul3A_481 = arith.constant 22.6274166 : f32
          %mul3A_482 = vector.broadcast %mul3A_481 : f32 to vector<16xf32>
          %mul3A_483 = arith.mulf %get3A_480, %mul3A_482 : vector<16xf32>
          %swap3A_484 = arith.index_cast %scan3A_142 : i32 to index
          %swap3A_485 = arith.constant 448 : index
          %swap3A_486 = tpu.vector_load %arg8[%swap3A_484, %swap3A_485] {strides = array<i32>} : memref<64x512xf32, #tpu.memory_space<vmem>>, vector<1x16xf32>,
          %swap3A_487 = vector.shape_cast %swap3A_486 : vector<1x16xf32> to vector<16xf32>
          %swap3A_488 = vector.shape_cast %mul3A_483 : vector<16xf32> to vector<1x16xf32>
          tpu.vector_store %arg8[%swap3A_484, %swap3A_485], %swap3A_488 {strides = array<i32>} : memref<64x512xf32, #tpu.memory_space<vmem>>, vector<1x16xf32>,
          %get3A_489 = arith.index_cast %scan3A_142 : i32 to index
          %get3A_490 = arith.constant 464 : index
          %get3A_491 = tpu.vector_load %arg8[%get3A_489, %get3A_490] {strides = array<i32>} : memref<64x512xf32, #tpu.memory_space<vmem>>, vector<1x16xf32>,
          %get3A_492 = vector.shape_cast %get3A_491 : vector<1x16xf32> to vector<16xf32>
          %mul3A_493 = arith.constant 22.6274166 : f32
          %mul3A_494 = vector.broadcast %mul3A_493 : f32 to vector<16xf32>
          %mul3A_495 = arith.mulf %get3A_492, %mul3A_494 : vector<16xf32>
          %swap3A_496 = arith.index_cast %scan3A_142 : i32 to index
          %swap3A_497 = arith.constant 464 : index
          %swap3A_498 = tpu.vector_load %arg8[%swap3A_496, %swap3A_497] {strides = array<i32>} : memref<64x512xf32, #tpu.memory_space<vmem>>, vector<1x16xf32>,
          %swap3A_499 = vector.shape_cast %swap3A_498 : vector<1x16xf32> to vector<16xf32>
          %swap3A_500 = vector.shape_cast %mul3A_495 : vector<16xf32> to vector<1x16xf32>
          tpu.vector_store %arg8[%swap3A_496, %swap3A_497], %swap3A_500 {strides = array<i32>} : memref<64x512xf32, #tpu.memory_space<vmem>>, vector<1x16xf32>,
          %get3A_501 = arith.index_cast %scan3A_142 : i32 to index
          %get3A_502 = arith.constant 480 : index
          %get3A_503 = tpu.vector_load %arg8[%get3A_501, %get3A_502] {strides = array<i32>} : memref<64x512xf32, #tpu.memory_space<vmem>>, vector<1x16xf32>,
          %get3A_504 = vector.shape_cast %get3A_503 : vector<1x16xf32> to vector<16xf32>
          %mul3A_505 = arith.constant 22.6274166 : f32
          %mul3A_506 = vector.broadcast %mul3A_505 : f32 to vector<16xf32>
          %mul3A_507 = arith.mulf %get3A_504, %mul3A_506 : vector<16xf32>
          %swap3A_508 = arith.index_cast %scan3A_142 : i32 to index
          %swap3A_509 = arith.constant 480 : index
          %swap3A_510 = tpu.vector_load %arg8[%swap3A_508, %swap3A_509] {strides = array<i32>} : memref<64x512xf32, #tpu.memory_space<vmem>>, vector<1x16xf32>,
          %swap3A_511 = vector.shape_cast %swap3A_510 : vector<1x16xf32> to vector<16xf32>
          %swap3A_512 = vector.shape_cast %mul3A_507 : vector<16xf32> to vector<1x16xf32>
          tpu.vector_store %arg8[%swap3A_508, %swap3A_509], %swap3A_512 {strides = array<i32>} : memref<64x512xf32, #tpu.memory_space<vmem>>, vector<1x16xf32>,
          %get3A_513 = arith.index_cast %scan3A_142 : i32 to index
          %get3A_514 = arith.constant 496 : index
          %get3A_515 = tpu.vector_load %arg8[%get3A_513, %get3A_514] {strides = array<i32>} : memref<64x512xf32, #tpu.memory_space<vmem>>, vector<1x16xf32>,
          %get3A_516 = vector.shape_cast %get3A_515 : vector<1x16xf32> to vector<16xf32>
          %mul3A_517 = arith.constant 22.6274166 : f32
          %mul3A_518 = vector.broadcast %mul3A_517 : f32 to vector<16xf32>
          %mul3A_519 = arith.mulf %get3A_516, %mul3A_518 : vector<16xf32>
          %swap3A_520 = arith.index_cast %scan3A_142 : i32 to index
          %swap3A_521 = arith.constant 496 : index
          %swap3A_522 = tpu.vector_load %arg8[%swap3A_520, %swap3A_521] {strides = array<i32>} : memref<64x512xf32, #tpu.memory_space<vmem>>, vector<1x16xf32>,
          %swap3A_523 = vector.shape_cast %swap3A_522 : vector<1x16xf32> to vector<16xf32>
          %swap3A_524 = vector.shape_cast %mul3A_519 : vector<16xf32> to vector<1x16xf32>
          tpu.vector_store %arg8[%swap3A_520, %swap3A_521], %swap3A_524 {strides = array<i32>} : memref<64x512xf32, #tpu.memory_space<vmem>>, vector<1x16xf32>,
        }
        %scan3A_134 = arith.constant 64 : i32
        %mul3A_135 = arith.constant 64 : i32
        %mul3A_136 = arith.muli %add3A_96, %mul3A_135 : i32
        %add3A_137 = arith.addi %mul3A_2, %mul3A_136 : i32
        %dma_start3A_138 = arith.constant 0 : i32
        %dma_start3A_139 = tpu.memref_slice %arg4[%add3A_137, %dma_start3A_138] : memref<204800x512xf32, #tpu.memory_space<hbm>> -> memref<64x512xf32, #tpu.memory_space<hbm>>
        %dma_start3A_140 = arith.constant 0 : i32
        %dma_start3A_141 = tpu.memref_slice %arg4[%add3A_137, %dma_start3A_140] : memref<204800x512xf32, #tpu.memory_space<hbm>> -> memref<64x512xf32, #tpu.memory_space<hbm>>
        tpu.enqueue_dma source(%arg8 : memref<64x512xf32, #tpu.memory_space<vmem>>) target(%dma_start3A_141 : memref<64x512xf32, #tpu.memory_space<hbm>>) target_semaphore(%arg14 : memref<!tpu.dma_semaphore, #tpu.memory_space<semaphore_mem>>)
      } else {
      }
    }
    %scan3A_20 = arith.constant 34 : i32
    %add3A_21 = arith.constant 6208 : i32
    %add3A_22 = arith.addi %mul3A_2, %add3A_21 : i32
    %dma_wait3A = arith.constant 0 : i32
    %dma_wait3A_23 = tpu.memref_slice %arg4[%add3A_22, %dma_wait3A] : memref<204800x512xf32, #tpu.memory_space<hbm>> -> memref<64x512xf32, #tpu.memory_space<hbm>>
    %dma_wait3A_24 = arith.constant 0 : i32
    %dma_wait3A_25 = tpu.memref_slice %arg4[%add3A_22, %dma_wait3A_24] : memref<204800x512xf32, #tpu.memory_space<hbm>> -> memref<64x512xf32, #tpu.memory_space<hbm>>
    tpu.wait_dma2 semaphore(%arg13 : memref<!tpu.dma_semaphore, #tpu.memory_space<semaphore_mem>>) src(%arg7 : memref<64x512xf32, #tpu.memory_space<vmem>>) dst(%dma_wait3A_25 : memref<64x512xf32, #tpu.memory_space<hbm>>)
    %add3A_26 = arith.constant 6272 : i32
    %add3A_27 = arith.addi %mul3A_2, %add3A_26 : i32
    %dma_wait3A_28 = arith.constant 0 : i32
    %dma_wait3A_29 = tpu.memref_slice %arg4[%add3A_27, %dma_wait3A_28] : memref<204800x512xf32, #tpu.memory_space<hbm>> -> memref<64x512xf32, #tpu.memory_space<hbm>>
    %dma_wait3A_30 = arith.constant 0 : i32
    %dma_wait3A_31 = tpu.memref_slice %arg4[%add3A_27, %dma_wait3A_30] : memref<204800x512xf32, #tpu.memory_space<hbm>> -> memref<64x512xf32, #tpu.memory_space<hbm>>
    tpu.wait_dma2 semaphore(%arg14 : memref<!tpu.dma_semaphore, #tpu.memory_space<semaphore_mem>>) src(%arg8 : memref<64x512xf32, #tpu.memory_space<vmem>>) dst(%dma_wait3A_31 : memref<64x512xf32, #tpu.memory_space<hbm>>)
    %add3A_32 = arith.constant 6336 : i32
    %add3A_33 = arith.addi %mul3A_2, %add3A_32 : i32
    %dma_wait3A_34 = arith.constant 0 : i32
    %dma_wait3A_35 = tpu.memref_slice %arg4[%add3A_33, %dma_wait3A_34] : memref<204800x512xf32, #tpu.memory_space<hbm>> -> memref<64x512xf32, #tpu.memory_space<hbm>>
    %dma_wait3A_36 = arith.constant 0 : i32
    %dma_wait3A_37 = tpu.memref_slice %arg4[%add3A_33, %dma_wait3A_36] : memref<204800x512xf32, #tpu.memory_space<hbm>> -> memref<64x512xf32, #tpu.memory_space<hbm>>
    tpu.wait_dma2 semaphore(%arg12 : memref<!tpu.dma_semaphore, #tpu.memory_space<semaphore_mem>>) src(%arg6 : memref<64x512xf32, #tpu.memory_space<vmem>>) dst(%dma_wait3A_37 : memref<64x512xf32, #tpu.memory_space<hbm>>)
    return
  }
}

</mosaic_0001>

<sc_bundles>
// kernel: _lookup.3.cloned.1.call-start
scs
__scs_entry_jumppad:
0x0: {  	(pc) =	sbr.rel $0x88, $3  }
0x1: {  	(tag) =	ssettag $0x0;
	lr =	simm.s32 $0x1  }
0x2: {  	[smem:$0x3F9F] =	sst lr;
	_ =	strace $0xD0000000  }
0x3: {  	_ = 	snop  }
0x4: {  	_ = 	snop  }
0x5: {  	_ = 	snop  }
0x6: {  	_ = 	snop  }
0x7: {  	_ = 	snop  }
__scs_overlays_trampoline_lowered:
0x8: {  	[smem:$0x3FAE] =	sst s0  }
0x9: {  	[smem:$0x3FAF] =	sst s1  }
0xa: {  	[smem:$0x3FB0] =	sst s2  }
0xb: {  	[smem:$0x3FB1] =	sst s3  }
0xc: {  	[smem:$0x3FB2] =	sst s4  }
0xd: {  	[smem:$0x3FB3] =	sst s5  }
0xe: {  	[smem:$0x3FB4] =	sst s6  }
0xf: {  	[smem:$0x3FB5] =	sst s7  }
0x10: {  	[smem:$0x3FB6] =	sst s8  }
0x11: {  	[smem:$0x3FB7] =	sst s9;
	s0 =	simm.s32 @!p0 $0x0  }
0x12: {  	s1 =	sld [smem:$0x3F9D];
	s0 =	simm.s32 @p0 $0x1  }
0x13: {  	[smem:$0x3FB8] =	sst s0;
	s0 =	simm.s32 @!p1 $0x0  }
0x14: {  	s2 =	sld [smem:$0x3F9C];
	s0 =	simm.s32 @p1 $0x1  }
0x15: {  	[smem:$0x3FB9] =	sst s0;
	s0 =	simm.s32 @!p2 $0x0  }
0x16: {  	s3 =	sld [smem:$0x3FDB];
	s0 =	simm.s32 @p2 $0x1  }
0x17: {  	s4 =	simm.s32 $0x1BF5;
	[smem:$0x3FBB] =	sst s0  }
0x18: {  	s0 =	sld [smem:$0x3F9E];
	_ =	swait.ge [sflag:s4], $0x0  }
0x19: {  	s7 =	sld [smem:$0x3F9F]  }
0x1a: {  	s8 =	sadd.s32 $0xFFFFE003, lr  }
0x1b: {  	s9 =	sadd.s32 $0xFFFFFEF7, lr;
	s5 =	simm.s32 $0xFFFFFFFF;
	p2 =	slt.u32 s8, $0xFFFFF086  }
0x1c: {  	p1 =	slt.u32 s9, $0xF7A;
	s5 =	simm.s32 @!p2 $0x0  }
0x1d: {  	s5 =	simm.s32 @p1 $0x1;
	p0 =	seq.s32 s7, s2  }
0x1e: {  	s7 =	smul.u32 @!p0 $0xF7A, s2;
	p2 =	seq.s32 @!p0 s5, $0x0  }
0x1f: {  	s9 =	smul.u32 $0xF7A, s1;
	s8 =	simm.s32 @!p0 $0x1BF5;
	p2 =	por !p2, p0  }
0x20: {  	[sflag:s8] =	ssyncset.s32 @!p0 $0xFFFFF086;
	s6 =	sadd.s32 @!p0 s3, s7;
	s7 =	simm.s32 @!p0 $0x108  }
0x21: {  	s3 =	sadd.s32 s3, s9;
	s6 =	sadd.s32 @!p0 $0x88, s6;
	s7 =	simm.s32 @p2 $0x1082  }
0x22: {  	[simem:s7], [sflag:s8] =	dma.local @!p0 [hbm:s6], $0xF7A  }
0x23: {  	s9 =	sor.u32 $0xD0000000, s2;
	s6 =	simm.s32 $0x108;
	_ =	swait.ge @!p0 [sflag:s8], $0x0  }
0x24: {  	s3 =	sadd.s32 $0x88, s3;
	s6 =	simm.s32 @!p1 $0x1082;
	[sflag:s4] =	ssyncset.s32 $0xFFFFF086  }
0x25: {  	[simem:s6], [sflag:s4] =	dma.local [hbm:s3], $0xF7A  }
0x26: {  	[smem:$0x3F9F] =	sst s1;
	(tag) =	ssettag s2;
	_ =	strace s9  }
0x27: {  	s1 =	sld [smem:$0x3FAF]  }
0x28: {  	s2 =	sld [smem:$0x3FB0]  }
0x29: {  	s4 =	sld [smem:$0x3FB2]  }
0x2a: {  	p0 =	seq.s32 s5, $0x0;
	s5 =	sld [smem:$0x3FB3]  }
0x2b: {  	s6 =	sld [smem:$0x3FB4]  }
0x2c: {  	s7 =	sld [smem:$0x3FB5]  }
0x2d: {  	s3 =	simm.s32 $0x108;
	s8 =	sld [smem:$0x3FB6]  }
0x2e: {  	s3 =	simm.s32 @!p0 $0x1082;
	s9 =	sld [smem:$0x3FB7]  }
0x2f: {  	lr =	sadd.s32 s0, s3;
	s0 =	sld [smem:$0x3FAE]  }
0x30: {  	s3 =	sld [smem:$0x3FB1]  }
0x31: {  	[smem:$0x3FBA] =	sst s10  }
0x32: {  	s10 =	sld [smem:$0x3FB8];
	_ =	sdelay $0x3  }
0x33: {  	p0 =	seq.s32 s10, $0x1;
	s10 =	sld [smem:$0x3FBA];
	_ =	sdelay $0x3  }
0x34: {  	[smem:$0x3FBA] =	sst s10  }
0x35: {  	s10 =	sld [smem:$0x3FB9];
	_ =	sdelay $0x3  }
0x36: {  	p1 =	seq.s32 s10, $0x1;
	s10 =	sld [smem:$0x3FBA];
	_ =	sdelay $0x3  }
0x37: {  	[smem:$0x3FBA] =	sst s10  }
0x38: {  	s10 =	sld [smem:$0x3FBB]  }
0x39: {  	_ = 	snop;
	(pc) =	sbr.ind lr, $3  }
0x3a: {  	_ = 	snop  }
0x3b: {  	_ = 	snop  }
0x3c: {  	p2 =	seq.s32 s10, $0x1;
	s10 =	sld [smem:$0x3FBA]  }
0x3d: {  	_ =	shalt  }
0x3e: {  	_ =	shalt  }
0x3f: {  	_ =	shalt  }
0x40: {  	_ =	shalt  }
0x41: {  	_ =	shalt  }
0x42: {  	_ =	shalt  }
0x43: {  	_ =	shalt  }
0x44: {  	_ =	shalt  }
0x45: {  	_ =	shalt  }
0x46: {  	_ =	shalt  }
0x47: {  	_ =	shalt  }
0x48: {  	_ =	shalt  }
0x49: {  	_ =	shalt  }
0x4a: {  	_ =	shalt  }
0x4b: {  	_ =	shalt  }
0x4c: {  	_ =	shalt  }
0x4d: {  	_ =	shalt  }
0x4e: {  	_ =	shalt  }
0x4f: {  	_ =	shalt  }
0x50: {  	_ =	shalt  }
0x51: {  	_ =	shalt  }
0x52: {  	_ =	shalt  }
0x53: {  	_ =	shalt  }
0x54: {  	_ =	shalt  }
0x55: {  	_ =	shalt  }
0x56: {  	_ =	shalt  }
0x57: {  	_ =	shalt  }
0x58: {  	_ =	shalt  }
0x59: {  	_ =	shalt  }
0x5a: {  	_ =	shalt  }
0x5b: {  	_ =	shalt  }
0x5c: {  	_ =	shalt  }
0x5d: {  	_ =	shalt  }
0x5e: {  	_ =	shalt  }
0x5f: {  	_ =	shalt  }
0x60: {  	_ =	shalt  }
0x61: {  	_ =	shalt  }
0x62: {  	_ =	shalt  }
0x63: {  	_ =	shalt  }
0x64: {  	_ =	shalt  }
0x65: {  	_ =	shalt  }
0x66: {  	_ =	shalt  }
0x67: {  	_ =	shalt  }
0x68: {  	_ =	shalt  }
0x69: {  	_ =	shalt  }
0x6a: {  	_ =	shalt  }
0x6b: {  	_ =	shalt  }
0x6c: {  	_ =	shalt  }
0x6d: {  	_ =	shalt  }
0x6e: {  	_ =	shalt  }
0x6f: {  	_ =	shalt  }
0x70: {  	_ =	shalt  }
0x71: {  	_ =	shalt  }
0x72: {  	_ =	shalt  }
0x73: {  	_ =	shalt  }
0x74: {  	_ =	shalt  }
0x75: {  	_ =	shalt  }
0x76: {  	_ =	shalt  }
0x77: {  	_ =	shalt  }
0x78: {  	_ =	shalt  }
0x79: {  	_ =	shalt  }
0x7a: {  	_ =	shalt  }
0x7b: {  	_ =	shalt  }
0x7c: {  	_ =	shalt  }
0x7d: {  	_ =	shalt  }
0x7e: {  	_ =	shalt  }
0x7f: {  	_ =	shalt  }
0x80: {  	_ =	shalt  }
0x81: {  	_ =	shalt  }
0x82: {  	_ =	shalt  }
0x83: {  	_ =	shalt  }
0x84: {  	_ =	shalt  }
0x85: {  	_ =	shalt  }
0x86: {  	_ =	shalt  }
0x87: {  	_ =	shalt  }
.Lfunc_end0:
.L_simem_size_0:
called_computation_lowered:
.L_overlay_start_0:
0x88: {  	s2 =	sld [smem:$0x3FD9]  }
0x89: {  	s3 =	sld [smem:$0x3FFE];
	_ =	sdelay $0x1  }
0x8a: {  	s1 =	srdreg.scid  }
0x8b: {  	s0 =	sand.u32 $0x1, s1  }
0x8c: {  	s17 =	sshll.u32 s0, $0xA;
	s2 =	sadd.s32 s3, s2  }
0x8d: {  	s2 =	sadd.s32 s2, s17  }
0x8e: {  	[smem:$0x3FC6] =	sst s2  }
0x8f: {  	_ = 	snop  }
0x90: {  	s2 =	sld [smem:$0x3FC8]  }
0x91: {  	s18 =	sld [smem:$0x3FD0];
	(tm) =	ssettm $0x1  }
0x92: {  	s4 =	sld [smem:$0x3FFB];
	_ =	sdelay $0x3  }
0x93: {  	_ =	strace s4  }
0x94: {  	s4 =	sld [smem:$0x3FFC];
	_ =	sdelay $0x3  }
0x95: {  	_ =	strace s4  }
0x96: {  	s4 =	sld [smem:$0x3FFD];
	_ =	sdelay $0x3  }
0x97: {  	_ =	strace s4  }
0x98: {  	_ =	strace $0x8FFFFFFF  }
0x99: {  	s19 =	sld [smem:$0x3FDB];
	_ =	sdelay $0x1  }
0x9a: {  	s5 =	simm.s32 $_scs_section_size  }
0x9b: {  	s6 =	simm.s32 $_size__tile_overlayer_lowered;
	s7 =	simm.s32 $_tile_overlayer_lowered  }
0x9c: {  	s22 =	simm.s32 $0x1BFF;
	s21 =	sshll.u32 s7, $0x1;
	s4 =	sadd.s32 s5, s19  }
0x9d: {  	s8 =	simm.s32 $0x0;
	s20 =	sshll.u32 s6, $0x1;
	s6 =	sadd.s32 s21, s4  }
0x9e: {  	[timem:s8], [sflag:s22] =	dma.local [hbm:s6], s20  }
0x9f: {  	_ =	swait.ge [sflag:s22], s20  }
0xa0: {  	s5 =	ssub.s32 $0x0, s20;
	[sflag:s22] =	ssyncset.done $0x0  }
0xa1: {  	[sflag:s22] =	ssyncadd.s32 s5;
	_ =	sdelay $0x1  }
0xa2: {  	s23 =	simm.s32 $0x1B8B  }
0xa3: {  	_ =	swait.ge [sflag:s23], $0x1  }
0xa4: {  	[sflag:s23] =	ssyncset.done $0x0  }
0xa5: {  	s25 =	simm.s32 $0x1B8E;
	s24 =	sld [smem:$0x3FFE];
	[sflag:s23] =	ssyncadd.s32 $0xFFFFFFFF  }
0xa6: {  	s26 =	simm.s32 $execute0_lowered;
	[smem:$0x3FD2] =	sst s25  }
0xa7: {  	s6 =	sshll.u32 s26, $0x1;
	_ =	strace $0x80000046;
	[dreg:$0x1] =	wrdreg $0xFFFFFFFF  }
0xa8: {  	s28 =	simm.s32 $_size_execute0_lowered;
	s4 =	sadd.s32 s4, s6;
	[dreg:$0x0] =	wrdreg $0x0  }
0xa9: {  	s6 =	sshll.u32 s28, $0x1;
	[dreg:$0x2] =	wrdreg s4  }
0xaa: {  	[dreg:$0x3] =	wrdreg s6  }
0xab: {  	[dreg:$0x4] =	wrdreg $0xC0  }
0xac: {  	_ =	task [dreg:s8], $0x5FFFF  }
0xad: {  	[dreg:$0x1] =	wrdreg $0xFFFFFFFF  }
0xae: {  	[dreg:$0x0] =	wrdreg $0x60  }
0xaf: {  	[dreg:$0x2] =	wrdreg s24  }
0xb0: {  	[dreg:$0x3] =	wrdreg s2  }
0xb1: {  	[dreg:$0x4] =	wrdreg s18  }
0xb2: {  	[dreg:$0x5] =	wrdreg $0x9  }
0xb3: {  	_ =	task.clear_ibuf [dreg:s8], $0x6FFFF;
	_ =	strace $0x90000046  }
0xb4: {  	s29 =	simm.s32 $0x9;
	_ =	strace $0x80000048  }
0xb5: {  	_ =	swait.ge [sflag:s29], $0x1  }
0xb6: {  	[sflag:s29] =	ssyncadd.s32 $0xFFFFFFFF  }
0xb7: {  	_ =	strace $0x90000048  }
0xb8: {  	_ =	sfence  }
0xb9: {  	s30 =	sld [smem:$0x0];
	_ =	sdelay $0x2  }
0xba: {  	s31 =	sshll.u32 s1, $0xD;
	s1 =	sshrl.u32 s1, $0x2  }
0xbb: {  	s3 =	sand.u32 $0x4000, s31;
	s1 =	sadd.s32 s1, s30  }
0xbc: {  	s0 =	sor.u32 s3, s0;
	s1 =	sshll.u32 s1, $0x11  }
0xbd: {  	s0 =	sor.u32 s1, s0  }
0xbe: {  	s0 =	sadd.s32 $0x8F2B, s0  }
0xbf: {  	[sflag:s0] =	ssyncadd.remote.s32 $0x1  }
0xc0: {  	_ =	sfence.sel $0xFFFF  }
0xc1: {  	[dreg:$0x0] =	wrdreg $0xFFFFFFFF;
	(pc) =	sbr.abs _section_cstart, $3  }
0xc2: {  	[dreg:$0x1] =	wrdreg $0xFFFFFFFF  }
0xc3: {  	_ =	task.clear_ibuf [dreg:s8], $0x2FFFF;
	_ =	strace $0x9FFFFFFF  }
0xc4: {  	(tm) =	ssettm $0x7FFFFFFF  }
0xc5: {  	_ =	shalt  }
tec
execute0_lowered:
.L_overlay_start_1:
0x0: {  	(tag) =	ssettag $0x1  }
0x1: {  	s0 =	rddreg [dreg:$0x0]  }
0x2: {  	s1 =	srdreg.scid;
	s3 =	stileid.u32  }
0x3: {  	s2 =	rddreg [dreg:$0x1];
	s12 =	simm.s32 $0x3400;
	s21 =	simm.s32 $0x7C00  }
0x4: {  	s22 =	simm.s32 $0x8400;
	s23 =	simm.s32 $0x8C00;
	s24 =	simm.s32 $0x9400  }
0x5: {  	s25 =	simm.s32 $0x9C00;
	s28 =	simm.s32 $0xAC00;
	s29 =	simm.s32 $0xB400  }
0x6: {  	s31 =	simm.s32 $0x13400;
	s10 =	simm.s32 $0x1;
	s11 =	simm.s32 $0x5  }
0x7: {  	s30 =	simm.s32 $0x6;
	s1 =	sand.u32 $0x1, s1;
	s4 =	sshll.u32 s3, $0x1  }
0x8: {  	s14 =	simm.s32 $0x0;
	s6 =	sor.u32 s1, s4;
	s1 =	ssub.s32 $0x2, s1  }
0x9: {  	s3 =	rddreg [dreg:$0x2];
	s5 =	smul.u32 $0x680, s6;
	s7 =	sshrl.u32 s1, $0x1  }
0xa: {  	s4 =	simm.s32 $0x0;
	s1 =	ssub.s32 s1, s7;
	s7 =	smul.u32 $0x1900, s6  }
.Ltmp0:
0xb: {  	s8 =	sadd.s32 $0x100, s2;
	[smem:$0x7FF] =	sst s4;
	(pc) =	sbr.rel .LBB2_1-.Ltmp0, $4  }
0xc: {  	_ =	strace $0x80000047;
	s0 =	sadd.s32 s5, s0;
	s5 =	smul.u32 $0x320000, s6  }
0xd: {  	v2 =	vlaneseq.u32;
	s26 =	smax.u32 s1, $0x1;
	s1 =	simm.s32 $0x4;
	s6 =	simm.s32 $0x3  }
0xe: {  	vm0 =	vmmov $0xffff;
	v1 =	vshrl.u32 v2, $0x3;
	s0 =	sadd.s32 $0x400, s0;
	[dreg:$0x5] =	wrdreg s26;
	s26 =	simm.s32 $0xA400  }
0xf: {  	v0 =	vand.u32 $0x7, v2;
	v2 =	vor.u32 $0x8, v2;
	v1 =	vmul.u32 $0x8, v1;
	[dreg:$0x4] =	wrdreg s0;
	s9 =	sor.u32 $0x8000, s5;
	s0 =	simm.s32 $0x2  }
.LBB2_16:
0x10: {  	_ =	swait.ge [sflag:s11], $0x8000  }
0x11: {  	[sflag:s11] =	ssyncset.done $0x0  }
0x12: {  	[sflag:s11] =	ssyncadd.s32 $0xFFFF8000  }
0x13: {  	_ =	swait.ge [sflag:s30], $0x8000  }
0x14: {  	[sflag:s30] =	ssyncset.done $0x0  }
0x15: {  	[sflag:s30] =	ssyncadd.s32 $0xFFFF8000  }
0x16: {  	_ =	swait.ge [sflag:s1], $0x8000  }
0x17: {  	s14 =	rddreg [dreg:$0x6]  }
0x18: {  	s13 =	rddreg [dreg:$0x5];
	s14 =	sadd.s32 $0x1, s14  }
0x19: {  	p0 =	sne.s32 s14, s13  }
.Ltmp1:
0x1a: {  	_ = 	snop;
	(pc) =	sbr.rel @!p0 .LBB2_17-.Ltmp1, $3  }
0x1b: {  	_ =	sdelay $0x1  }
0x1c: {  	[sflag:s1] =	ssyncset.done $0x0  }
0x1d: {  	[sflag:s1] =	ssyncadd.s32 $0xFFFF8000  }
.LBB2_1:
0x1e: {  	[dreg:$0x6] =	wrdreg s14  }
0x1f: {  	s13 =	rddreg [dreg:$0x4];
	s18 =	simm.s32 $0x7  }
0x20: {  	[tilespmem:s4], [sflag:$0x7] =	stream.linear.gather [hbm4b:s13+s4], $0x3200, $0x38;
	[tilespmem:$0x1B400] =	vst v63  }
0x21: {  	_ =	swait.ge [sflag:s18], $0x3200  }
0x22: {  	[sflag:s18] =	ssyncset.done $0x0  }
0x23: {  	[sflag:s18] =	ssyncadd.s32 $0xFFFFCE00  }
0x24: {  	v3 =	vld [tilespmem:$0x0];
	_ =	sdelay $0x4  }
0x25: {  	v4 =	vshll.u32 v3, $0x2  }
0x26: {  	v3 =	vand.u32 $0x7, v3;
	v4 =	vand.u32 $0xFFFFFFE0, v4  }
0x27: {  	v3 =	vor.u32 v3, v4  }
0x28: {  	v4 =	vperm.xlane v3, v0;
	_ =	sdelay $0x1  }
0x29: {  	v4 =	vadd.s32 v1, v4;
	_ =	sdelay $0x1  }
0x2a: {  	v3 =	vperm.xlane v3, v2;
	_ =	sdelay $0x1  }
0x2b: {  	v3 =	vadd.s32 v1, v3  }
0x2c: {  	[tilespmem:s12], [sflag:$0x1] =	stream.indirect_vreg.gather [hbm4b:s2+s4], $0x80, v4, vm0, $0xb8;
	[tilespmem:$0x1B400] =	vst v63  }
0x2d: {  	s19 =	simm.s32 $0x3C00  }
0x2e: {  	[tilespmem:s19], [sflag:$0x1] =	stream.indirect_vreg.gather [hbm4b:s8+s4], $0x80, v4, vm0, $0xb8;
	[tilespmem:$0x1B400] =	vst v63  }
0x2f: {  	s20 =	simm.s32 $0x4400  }
0x30: {  	[tilespmem:s20], [sflag:$0x1] =	stream.indirect_vreg.gather [hbm4b:s2+s4], $0x80, v3, vm0, $0xb8;
	[tilespmem:$0x1B400] =	vst v63  }
0x31: {  	s14 =	simm.s32 $0x4C00  }
0x32: {  	[tilespmem:s14], [sflag:$0x1] =	stream.indirect_vreg.gather [hbm4b:s8+s4], $0x80, v3, vm0, $0xb8;
	[tilespmem:$0x1B400] =	vst v63  }
0x33: {  	v3 =	vld [tilespmem:$0x10];
	_ =	sdelay $0x4  }
0x34: {  	v57 =	vshll.u32 v3, $0x2  }
0x35: {  	v3 =	vand.u32 $0x7, v3;
	v4 =	vand.u32 $0xFFFFFFE0, v57  }
0x36: {  	v3 =	vor.u32 v3, v4  }
0x37: {  	v4 =	vperm.xlane v3, v0;
	_ =	sdelay $0x1  }
0x38: {  	v4 =	vadd.s32 v1, v4;
	_ =	sdelay $0x1  }
0x39: {  	v3 =	vperm.xlane v3, v2;
	_ =	sdelay $0x1  }
0x3a: {  	s15 =	simm.s32 $0x5400;
	v3 =	vadd.s32 v1, v3  }
0x3b: {  	[tilespmem:s15], [sflag:$0x1] =	stream.indirect_vreg.gather [hbm4b:s2+s4], $0x80, v4, vm0, $0xb8;
	[tilespmem:$0x1B400] =	vst v63  }
0x3c: {  	s16 =	simm.s32 $0x5C00  }
0x3d: {  	[tilespmem:s16], [sflag:$0x1] =	stream.indirect_vreg.gather [hbm4b:s8+s4], $0x80, v4, vm0, $0xb8;
	[tilespmem:$0x1B400] =	vst v63  }
0x3e: {  	s17 =	simm.s32 $0x6400  }
0x3f: {  	[tilespmem:s17], [sflag:$0x1] =	stream.indirect_vreg.gather [hbm4b:s2+s4], $0x80, v3, vm0, $0xb8;
	[tilespmem:$0x1B400] =	vst v63  }
0x40: {  	s18 =	simm.s32 $0x6C00  }
0x41: {  	[tilespmem:s18], [sflag:$0x1] =	stream.indirect_vreg.gather [hbm4b:s8+s4], $0x80, v3, vm0, $0xb8;
	[tilespmem:$0x1B400] =	vst v63  }
0x42: {  	v3 =	vld [tilespmem:$0x20];
	_ =	sdelay $0x4  }
0x43: {  	v58 =	vshll.u32 v3, $0x2  }
0x44: {  	v3 =	vand.u32 $0x7, v3;
	v4 =	vand.u32 $0xFFFFFFE0, v58  }
0x45: {  	v3 =	vor.u32 v3, v4  }
0x46: {  	v4 =	vperm.xlane v3, v0;
	_ =	sdelay $0x1  }
0x47: {  	v4 =	vadd.s32 v1, v4;
	_ =	sdelay $0x1  }
0x48: {  	v3 =	vperm.xlane v3, v2;
	_ =	sdelay $0x1  }
0x49: {  	s19 =	simm.s32 $0x7400;
	v3 =	vadd.s32 v1, v3  }
0x4a: {  	[tilespmem:s19], [sflag:$0x1] =	stream.indirect_vreg.gather [hbm4b:s2+s4], $0x80, v4, vm0, $0xb8;
	[tilespmem:$0x1B400] =	vst v63  }
0x4b: {  	_ = 	snop  }
0x4c: {  	[tilespmem:s21], [sflag:$0x1] =	stream.indirect_vreg.gather [hbm4b:s8+s4], $0x80, v4, vm0, $0xb8;
	[tilespmem:$0x1B400] =	vst v63  }
0x4d: {  	_ = 	snop  }
0x4e: {  	[tilespmem:s22], [sflag:$0x1] =	stream.indirect_vreg.gather [hbm4b:s2+s4], $0x80, v3, vm0, $0xb8;
	[tilespmem:$0x1B400] =	vst v63  }
0x4f: {  	_ = 	snop  }
0x50: {  	[tilespmem:s23], [sflag:$0x1] =	stream.indirect_vreg.gather [hbm4b:s8+s4], $0x80, v3, vm0, $0xb8;
	[tilespmem:$0x1B400] =	vst v63  }
0x51: {  	v3 =	vld [tilespmem:$0x30];
	_ =	sdelay $0x4  }
0x52: {  	v59 =	vshll.u32 v3, $0x2  }
0x53: {  	v3 =	vand.u32 $0x7, v3;
	v4 =	vand.u32 $0xFFFFFFE0, v59  }
0x54: {  	v3 =	vor.u32 v3, v4  }
0x55: {  	v4 =	vperm.xlane v3, v0;
	_ =	sdelay $0x1  }
0x56: {  	v4 =	vadd.s32 v1, v4;
	_ =	sdelay $0x1  }
0x57: {  	v3 =	vperm.xlane v3, v2;
	_ =	sdelay $0x1  }
0x58: {  	v3 =	vadd.s32 v1, v3  }
0x59: {  	[tilespmem:s24], [sflag:$0x1] =	stream.indirect_vreg.gather [hbm4b:s2+s4], $0x80, v4, vm0, $0xb8;
	[tilespmem:$0x1B400] =	vst v63  }
0x5a: {  	_ = 	snop  }
0x5b: {  	[tilespmem:s25], [sflag:$0x1] =	stream.indirect_vreg.gather [hbm4b:s8+s4], $0x80, v4, vm0, $0xb8;
	[tilespmem:$0x1B400] =	vst v63  }
0x5c: {  	_ = 	snop  }
0x5d: {  	[tilespmem:s26], [sflag:$0x1] =	stream.indirect_vreg.gather [hbm4b:s2+s4], $0x80, v3, vm0, $0xb8;
	[tilespmem:$0x1B400] =	vst v63  }
0x5e: {  	_ = 	snop  }
0x5f: {  	[tilespmem:s28], [sflag:$0x1] =	stream.indirect_vreg.gather [hbm4b:s8+s4], $0x80, v3, vm0, $0xb8;
	[tilespmem:$0x1B400] =	vst v63  }
0x60: {  	v3 =	vld [tilespmem:$0x80];
	_ =	sdelay $0x4  }
0x61: {  	v60 =	vshll.u32 v3, $0x2  }
0x62: {  	v3 =	vand.u32 $0x7, v3;
	v4 =	vand.u32 $0xFFFFFFE0, v60  }
0x63: {  	v3 =	vor.u32 v3, v4  }
0x64: {  	v4 =	vperm.xlane v3, v0;
	_ =	sdelay $0x1  }
0x65: {  	v4 =	vadd.s32 v1, v4;
	_ =	sdelay $0x1  }
0x66: {  	v3 =	vperm.xlane v3, v2;
	_ =	sdelay $0x1  }
0x67: {  	v3 =	vadd.s32 v1, v3  }
0x68: {  	[tilespmem:s29], [sflag:$0x2] =	stream.indirect_vreg.gather [hbm4b:s2+s4], $0x80, v4, vm0, $0xb8;
	[tilespmem:$0x1B400] =	vst v63  }
0x69: {  	s20 =	simm.s32 $0xBC00  }
0x6a: {  	[tilespmem:s20], [sflag:$0x2] =	stream.indirect_vreg.gather [hbm4b:s8+s4], $0x80, v4, vm0, $0xb8;
	[tilespmem:$0x1B400] =	vst v63  }
0x6b: {  	s14 =	simm.s32 $0xC400  }
0x6c: {  	[tilespmem:s14], [sflag:$0x2] =	stream.indirect_vreg.gather [hbm4b:s2+s4], $0x80, v3, vm0, $0xb8;
	[tilespmem:$0x1B400] =	vst v63  }
0x6d: {  	s15 =	simm.s32 $0xCC00  }
0x6e: {  	[tilespmem:s15], [sflag:$0x2] =	stream.indirect_vreg.gather [hbm4b:s8+s4], $0x80, v3, vm0, $0xb8;
	[tilespmem:$0x1B400] =	vst v63  }
0x6f: {  	v3 =	vld [tilespmem:$0x90];
	_ =	sdelay $0x4  }
0x70: {  	v61 =	vshll.u32 v3, $0x2  }
0x71: {  	v3 =	vand.u32 $0x7, v3;
	v4 =	vand.u32 $0xFFFFFFE0, v61  }
0x72: {  	v3 =	vor.u32 v3, v4  }
0x73: {  	v4 =	vperm.xlane v3, v0;
	_ =	sdelay $0x1  }
0x74: {  	v4 =	vadd.s32 v1, v4;
	_ =	sdelay $0x1  }
0x75: {  	v3 =	vperm.xlane v3, v2;
	_ =	sdelay $0x1  }
0x76: {  	s16 =	simm.s32 $0xD400;
	v3 =	vadd.s32 v1, v3  }
0x77: {  	[tilespmem:s16], [sflag:$0x2] =	stream.indirect_vreg.gather [hbm4b:s2+s4], $0x80, v4, vm0, $0xb8;
	[tilespmem:$0x1B400] =	vst v63  }
0x78: {  	s17 =	simm.s32 $0xDC00  }
0x79: {  	[tilespmem:s17], [sflag:$0x2] =	stream.indirect_vreg.gather [hbm4b:s8+s4], $0x80, v4, vm0, $0xb8;
	[tilespmem:$0x1B400] =	vst v63  }
0x7a: {  	s18 =	simm.s32 $0xE400  }
0x7b: {  	[tilespmem:s18], [sflag:$0x2] =	stream.indirect_vreg.gather [hbm4b:s2+s4], $0x80, v3, vm0, $0xb8;
	[tilespmem:$0x1B400] =	vst v63  }
0x7c: {  	s19 =	simm.s32 $0xEC00  }
0x7d: {  	[tilespmem:s19], [sflag:$0x2] =	stream.indirect_vreg.gather [hbm4b:s8+s4], $0x80, v3, vm0, $0xb8;
	[tilespmem:$0x1B400] =	vst v63  }
0x7e: {  	v3 =	vld [tilespmem:$0xA0];
	_ =	sdelay $0x4  }
0x7f: {  	v62 =	vshll.u32 v3, $0x2  }
0x80: {  	v3 =	vand.u32 $0x7, v3;
	v4 =	vand.u32 $0xFFFFFFE0, v62  }
0x81: {  	v3 =	vor.u32 v3, v4  }
0x82: {  	v4 =	vperm.xlane v3, v0;
	_ =	sdelay $0x1  }
0x83: {  	v4 =	vadd.s32 v1, v4;
	_ =	sdelay $0x1  }
0x84: {  	v3 =	vperm.xlane v3, v2;
	_ =	sdelay $0x1  }
0x85: {  	s20 =	simm.s32 $0xF400;
	v3 =	vadd.s32 v1, v3  }
0x86: {  	[tilespmem:s20], [sflag:$0x2] =	stream.indirect_vreg.gather [hbm4b:s2+s4], $0x80, v4, vm0, $0xb8;
	[tilespmem:$0x1B400] =	vst v63  }
0x87: {  	s14 =	simm.s32 $0xFC00  }
0x88: {  	[tilespmem:s14], [sflag:$0x2] =	stream.indirect_vreg.gather [hbm4b:s8+s4], $0x80, v4, vm0, $0xb8;
	[tilespmem:$0x1B400] =	vst v63  }
0x89: {  	s15 =	simm.s32 $0x10400  }
0x8a: {  	[tilespmem:s15], [sflag:$0x2] =	stream.indirect_vreg.gather [hbm4b:s2+s4], $0x80, v3, vm0, $0xb8;
	[tilespmem:$0x1B400] =	vst v63  }
0x8b: {  	s16 =	simm.s32 $0x10C00  }
0x8c: {  	[tilespmem:s16], [sflag:$0x2] =	stream.indirect_vreg.gather [hbm4b:s8+s4], $0x80, v3, vm0, $0xb8;
	[tilespmem:$0x1B400] =	vst v63  }
0x8d: {  	v3 =	vld [tilespmem:$0xB0];
	_ =	sdelay $0x4  }
0x8e: {  	v63 =	vshll.u32 v3, $0x2  }
0x8f: {  	v3 =	vand.u32 $0x7, v3;
	v4 =	vand.u32 $0xFFFFFFE0, v63  }
0x90: {  	v3 =	vor.u32 v3, v4  }
0x91: {  	v4 =	vperm.xlane v3, v0;
	_ =	sdelay $0x1  }
0x92: {  	v4 =	vadd.s32 v1, v4;
	_ =	sdelay $0x1  }
0x93: {  	v3 =	vperm.xlane v3, v2;
	_ =	sdelay $0x1  }
0x94: {  	s17 =	simm.s32 $0x11400;
	v3 =	vadd.s32 v1, v3  }
0x95: {  	[tilespmem:s17], [sflag:$0x2] =	stream.indirect_vreg.gather [hbm4b:s2+s4], $0x80, v4, vm0, $0xb8;
	[tilespmem:$0x1B400] =	vst v63  }
0x96: {  	s18 =	simm.s32 $0x11C00  }
0x97: {  	[tilespmem:s18], [sflag:$0x2] =	stream.indirect_vreg.gather [hbm4b:s8+s4], $0x80, v4, vm0, $0xb8;
	[tilespmem:$0x1B400] =	vst v63  }
0x98: {  	s19 =	simm.s32 $0x12400  }
0x99: {  	[tilespmem:s19], [sflag:$0x2] =	stream.indirect_vreg.gather [hbm4b:s2+s4], $0x80, v3, vm0, $0xb8;
	[tilespmem:$0x1B400] =	vst v63  }
0x9a: {  	s13 =	simm.s32 $0x0;
	s20 =	simm.s32 $0x12C00  }
0x9b: {  	[tilespmem:s20], [sflag:$0x2] =	stream.indirect_vreg.gather [hbm4b:s8+s4], $0x80, v3, vm0, $0xb8;
	[tilespmem:$0x1B400] =	vst v63  }
.LBB2_2:
0x9c: {  	p0 =	seq.s32 s13, $0x0  }
.Ltmp2:
0x9d: {  	_ = 	snop;
	(pc) =	sbr.rel @p0 .LBB2_5-.Ltmp2, $3  }
0x9e: {  	_ = 	snop  }
0x9f: {  	s14 =	smul.u32 $0x3, s13;
	_ =	sdelay $0x1  }
0xa0: {  	s14 =	sadd.s32 $0x2, s14  }
0xa1: {  	p0 =	seq.s32 s13, $0x21  }
.Ltmp3:
0xa2: {  	_ = 	snop;
	(pc) =	sbr.rel @p0 .LBB2_6-.Ltmp3, $1  }
0xa3: {  	_ =	sdelay $0x3  }
0xa4: {  	_ =	swait.ge [sflag:s30], $0x8000  }
0xa5: {  	[sflag:s30] =	ssyncset.done $0x0  }
0xa6: {  	[sflag:s30] =	ssyncadd.s32 $0xFFFF8000  }
.LBB2_5:
0xa7: {  	s15 =	sshll.u32 s14, $0x7  }
0xa8: {  	s15 =	sand.u32 $0x3FFFFF80, s15  }
0xa9: {  	v3 =	vld [tilespmem:s15+$0x0];
	_ =	sdelay $0x4  }
0xaa: {  	v4 =	vshll.u32 v3, $0x2  }
0xab: {  	v3 =	vand.u32 $0x7, v3;
	v4 =	vand.u32 $0xFFFFFFE0, v4  }
0xac: {  	v3 =	vor.u32 v3, v4  }
0xad: {  	v4 =	vperm.xlane v3, v0;
	_ =	sdelay $0x1  }
0xae: {  	v4 =	vadd.s32 v1, v4;
	_ =	sdelay $0x1  }
0xaf: {  	v3 =	vperm.xlane v3, v2;
	_ =	sdelay $0x1  }
0xb0: {  	v3 =	vadd.s32 v1, v3  }
0xb1: {  	[tilespmem:s31], [sflag:$0x3] =	stream.indirect_vreg.gather [hbm4b:s2+s4], $0x80, v4, vm0, $0xb8;
	[tilespmem:$0x1B400] =	vst v63  }
0xb2: {  	s16 =	simm.s32 $0x13C00  }
0xb3: {  	[tilespmem:s16], [sflag:$0x3] =	stream.indirect_vreg.gather [hbm4b:s8+s4], $0x80, v4, vm0, $0xb8;
	[tilespmem:$0x1B400] =	vst v63  }
0xb4: {  	s19 =	simm.s32 $0x14400  }
0xb5: {  	[tilespmem:s19], [sflag:$0x3] =	stream.indirect_vreg.gather [hbm4b:s2+s4], $0x80, v3, vm0, $0xb8;
	[tilespmem:$0x1B400] =	vst v63  }
0xb6: {  	s20 =	simm.s32 $0x14C00  }
0xb7: {  	[tilespmem:s20], [sflag:$0x3] =	stream.indirect_vreg.gather [hbm4b:s8+s4], $0x80, v3, vm0, $0xb8;
	[tilespmem:$0x1B400] =	vst v63  }
0xb8: {  	v3 =	vld [tilespmem:s15+$0x10];
	_ =	sdelay $0x4  }
0xb9: {  	v61 =	vshll.u32 v3, $0x2  }
0xba: {  	v3 =	vand.u32 $0x7, v3;
	v4 =	vand.u32 $0xFFFFFFE0, v61  }
0xbb: {  	v3 =	vor.u32 v3, v4  }
0xbc: {  	v4 =	vperm.xlane v3, v0;
	_ =	sdelay $0x1  }
0xbd: {  	v4 =	vadd.s32 v1, v4;
	_ =	sdelay $0x1  }
0xbe: {  	v3 =	vperm.xlane v3, v2;
	_ =	sdelay $0x1  }
0xbf: {  	s17 =	simm.s32 $0x15400;
	v3 =	vadd.s32 v1, v3  }
0xc0: {  	[tilespmem:s17], [sflag:$0x3] =	stream.indirect_vreg.gather [hbm4b:s2+s4], $0x80, v4, vm0, $0xb8;
	[tilespmem:$0x1B400] =	vst v63  }
0xc1: {  	s18 =	simm.s32 $0x15C00  }
0xc2: {  	[tilespmem:s18], [sflag:$0x3] =	stream.indirect_vreg.gather [hbm4b:s8+s4], $0x80, v4, vm0, $0xb8;
	[tilespmem:$0x1B400] =	vst v63  }
0xc3: {  	s19 =	simm.s32 $0x16400  }
0xc4: {  	[tilespmem:s19], [sflag:$0x3] =	stream.indirect_vreg.gather [hbm4b:s2+s4], $0x80, v3, vm0, $0xb8;
	[tilespmem:$0x1B400] =	vst v63  }
0xc5: {  	s20 =	simm.s32 $0x16C00  }
0xc6: {  	[tilespmem:s20], [sflag:$0x3] =	stream.indirect_vreg.gather [hbm4b:s8+s4], $0x80, v3, vm0, $0xb8;
	[tilespmem:$0x1B400] =	vst v63  }
0xc7: {  	v3 =	vld [tilespmem:s15+$0x20];
	_ =	sdelay $0x4  }
0xc8: {  	v62 =	vshll.u32 v3, $0x2  }
0xc9: {  	v3 =	vand.u32 $0x7, v3;
	v4 =	vand.u32 $0xFFFFFFE0, v62  }
0xca: {  	v3 =	vor.u32 v3, v4  }
0xcb: {  	v4 =	vperm.xlane v3, v0;
	_ =	sdelay $0x1  }
0xcc: {  	v4 =	vadd.s32 v1, v4;
	_ =	sdelay $0x1  }
0xcd: {  	v3 =	vperm.xlane v3, v2;
	_ =	sdelay $0x1  }
0xce: {  	s17 =	simm.s32 $0x17400;
	v3 =	vadd.s32 v1, v3  }
0xcf: {  	[tilespmem:s17], [sflag:$0x3] =	stream.indirect_vreg.gather [hbm4b:s2+s4], $0x80, v4, vm0, $0xb8;
	[tilespmem:$0x1B400] =	vst v63  }
0xd0: {  	s18 =	simm.s32 $0x17C00  }
0xd1: {  	[tilespmem:s18], [sflag:$0x3] =	stream.indirect_vreg.gather [hbm4b:s8+s4], $0x80, v4, vm0, $0xb8;
	[tilespmem:$0x1B400] =	vst v63  }
0xd2: {  	s19 =	simm.s32 $0x18400  }
0xd3: {  	[tilespmem:s19], [sflag:$0x3] =	stream.indirect_vreg.gather [hbm4b:s2+s4], $0x80, v3, vm0, $0xb8;
	[tilespmem:$0x1B400] =	vst v63  }
0xd4: {  	s20 =	simm.s32 $0x18C00  }
0xd5: {  	[tilespmem:s20], [sflag:$0x3] =	stream.indirect_vreg.gather [hbm4b:s8+s4], $0x80, v3, vm0, $0xb8;
	[tilespmem:$0x1B400] =	vst v63  }
0xd6: {  	v3 =	vld [tilespmem:s15+$0x30];
	_ =	sdelay $0x4  }
0xd7: {  	v63 =	vshll.u32 v3, $0x2  }
0xd8: {  	v3 =	vand.u32 $0x7, v3;
	v4 =	vand.u32 $0xFFFFFFE0, v63  }
0xd9: {  	v3 =	vor.u32 v3, v4  }
0xda: {  	v4 =	vperm.xlane v3, v0;
	_ =	sdelay $0x1  }
0xdb: {  	v4 =	vadd.s32 v1, v4;
	_ =	sdelay $0x1  }
0xdc: {  	v3 =	vperm.xlane v3, v2;
	_ =	sdelay $0x1  }
0xdd: {  	s17 =	simm.s32 $0x19400;
	v3 =	vadd.s32 v1, v3  }
0xde: {  	[tilespmem:s17], [sflag:$0x3] =	stream.indirect_vreg.gather [hbm4b:s2+s4], $0x80, v4, vm0, $0xb8;
	[tilespmem:$0x1B400] =	vst v63  }
0xdf: {  	s18 =	simm.s32 $0x19C00  }
0xe0: {  	[tilespmem:s18], [sflag:$0x3] =	stream.indirect_vreg.gather [hbm4b:s8+s4], $0x80, v4, vm0, $0xb8;
	[tilespmem:$0x1B400] =	vst v63  }
0xe1: {  	s19 =	simm.s32 $0x1A400  }
0xe2: {  	[tilespmem:s19], [sflag:$0x3] =	stream.indirect_vreg.gather [hbm4b:s2+s4], $0x80, v3, vm0, $0xb8;
	[tilespmem:$0x1B400] =	vst v63  }
0xe3: {  	s20 =	simm.s32 $0x1AC00  }
0xe4: {  	[tilespmem:s20], [sflag:$0x3] =	stream.indirect_vreg.gather [hbm4b:s8+s4], $0x80, v3, vm0, $0xb8;
	[tilespmem:$0x1B400] =	vst v63  }
.LBB2_6:
0xe5: {  	_ =	swait.ge [sflag:s10], $0x8000;
	s15 =	simm.s32 $0x0  }
0xe6: {  	[sflag:s10] =	ssyncset.done $0x0;
	s16 =	sand.u32 $0x7000, s15;
	s15 =	sand.u32 $0x380, s15  }
0xe7: {  	[sflag:s10] =	ssyncadd.s32 $0xFFFF8000;
	s15 =	sor.u32 s15, s16  }
0xe8: {  	v3 =	vld [tilespmem:s15+$0x3870]  }
0xe9: {  	v4 =	vld [tilespmem:s15+$0x3C00]  }
0xea: {  	v5 =	vld [tilespmem:s15+$0x3C10]  }
0xeb: {  	v6 =	vld [tilespmem:s15+$0x3860]  }
0xec: {  	v7 =	vld [tilespmem:s15+$0x3850]  }
0xed: {  	v8 =	vld [tilespmem:s15+$0x3C20]  }
0xee: {  	v9 =	vld [tilespmem:s15+$0x3840]  }
0xef: {  	v10 =	vld [tilespmem:s15+$0x4070]  }
0xf0: {  	v11 =	vld [tilespmem:s15+$0x4010]  }
0xf1: {  	v12 =	vld [tilespmem:s15+$0x4050]  }
0xf2: {  	v16 =	vld [tilespmem:s15+$0x3C30]  }
0xf3: {  	v17 =	vld [tilespmem:s15+$0x3C40]  }
0xf4: {  	v14 =	vld [tilespmem:s15+$0x4000]  }
0xf5: {  	v13 =	vld [tilespmem:s15+$0x4040]  }
0xf6: {  	v15 =	vld [tilespmem:s15+$0x3830];
	v11 =	vmul.f32 $2.262741660e+01, v11  }
0xf7: {  	v18 =	vld [tilespmem:s15+$0x3820];
	v10 =	vmul.f32 $2.262741660e+01, v10  }
0xf8: {  	v19 =	vld [tilespmem:s15+$0x3810];
	v12 =	vmul.f32 $2.262741660e+01, v12;
	[tilespmem:s15+$0x4010] =	vst v11  }
0xf9: {  	v20 =	vld [tilespmem:s15+$0x3460];
	v14 =	vmul.f32 $2.262741660e+01, v14;
	[tilespmem:s15+$0x4070] =	vst v10  }
0xfa: {  	v24 =	vld [tilespmem:s15+$0x3400];
	v11 =	vmul.f32 $2.262741660e+01, v13;
	[tilespmem:s15+$0x4050] =	vst v12  }
0xfb: {  	v15 =	vmul.f32 $2.262741660e+01, v15;
	v10 =	vld [tilespmem:s15+$0x4020];
	[tilespmem:s15+$0x4000] =	vst v14  }
0xfc: {  	v13 =	vld [tilespmem:s15+$0x3800];
	[tilespmem:s15+$0x4040] =	vst v11;
	v11 =	vmul.f32 $2.262741660e+01, v18  }
0xfd: {  	v12 =	vld [tilespmem:s15+$0x3470];
	[tilespmem:s15+$0x3830] =	vst v15;
	v18 =	vmul.f32 $2.262741660e+01, v9;
	v9 =	vmul.f32 $2.262741660e+01, v19  }
0xfe: {  	v22 =	vld [tilespmem:s15+$0x3C60];
	v21 =	vmul.f32 $2.262741660e+01, v7;
	v20 =	vmul.f32 $2.262741660e+01, v20;
	[tilespmem:s15+$0x3820] =	vst v11  }
0xff: {  	v19 =	vld [tilespmem:s15+$0x3C50];
	v11 =	vmul.f32 $2.262741660e+01, v6;
	[tilespmem:s15+$0x3810] =	vst v9;
	v9 =	vmul.f32 $2.262741660e+01, v8  }
0x100: {  	v23 =	vld [tilespmem:s15+$0x3C70];
	[tilespmem:s15+$0x3460] =	vst v20;
	v8 =	vmul.f32 $2.262741660e+01, v24;
	v7 =	vmul.f32 $2.262741660e+01, v10  }
0x101: {  	v14 =	vld [tilespmem:s15+$0x3410];
	[tilespmem:s15+$0x3850] =	vst v21;
	v6 =	vmul.f32 $2.262741660e+01, v13;
	v10 =	vmul.f32 $2.262741660e+01, v3  }
0x102: {  	v15 =	vld [tilespmem:s15+$0x3440];
	[tilespmem:s15+$0x3840] =	vst v18;
	v3 =	vmul.f32 $2.262741660e+01, v12;
	v12 =	vmul.f32 $2.262741660e+01, v4  }
0x103: {  	v13 =	vmul.f32 $2.262741660e+01, v5;
	v4 =	vmul.f32 $2.262741660e+01, v16;
	v16 =	vld [tilespmem:s15+$0x3420];
	[tilespmem:s15+$0x4020] =	vst v7  }
0x104: {  	[tilespmem:s15+$0x3800] =	vst v6;
	v7 =	vmul.f32 $2.262741660e+01, v17;
	v5 =	vmul.f32 $2.262741660e+01, v19;
	v17 =	vld [tilespmem:s15+$0x3430]  }
0x105: {  	s17 =	simm.s32 $0x80;
	s16 =	simm.s32 $0x200;
	v18 =	vld [tilespmem:s15+$0x4030];
	[tilespmem:s15+$0x3470] =	vst v3;
	v6 =	vmul.f32 $2.262741660e+01, v22;
	v3 =	vmul.f32 $2.262741660e+01, v23  }
.LBB2_7:
0x106: {  	s18 =	sand.u32 $0x7000, s16;
	s19 =	sand.u32 $0x380, s17;
	v14 =	vmul.f32 $2.262741660e+01, v14;
	[tilespmem:s15+$0x3860] =	vst v11;
	v11 =	vld [tilespmem:s15+$0x4060]  }
0x107: {  	p0 =	sne.s32 s16, $0x7E00;
	s16 =	sadd.s32 $0x200, s16;
	s18 =	sor.u32 s19, s18;
	v15 =	vmul.f32 $2.262741660e+01, v15;
	v19 =	vld [tilespmem:s15+$0x3450];
	[tilespmem:s15+$0x3870] =	vst v10  }
0x108: {  	v10 =	vld [tilespmem:s18+$0x3870];
	v16 =	vmul.f32 $2.262741660e+01, v16;
	[tilespmem:s15+$0x3C00] =	vst v12  }
0x109: {  	v12 =	vld [tilespmem:s18+$0x3C00];
	v17 =	vmul.f32 $2.262741660e+01, v17;
	[tilespmem:s15+$0x3C10] =	vst v13  }
0x10a: {  	v13 =	vld [tilespmem:s18+$0x3C10];
	[tilespmem:s15+$0x3420] =	vst v16;
	v16 =	vmul.f32 $2.262741660e+01, v18  }
0x10b: {  	v18 =	vld [tilespmem:s18+$0x3860];
	[tilespmem:s15+$0x3430] =	vst v17;
	v11 =	vmul.f32 $2.262741660e+01, v11  }
0x10c: {  	v17 =	vld [tilespmem:s18+$0x3850];
	v19 =	vmul.f32 $2.262741660e+01, v19;
	[tilespmem:s15+$0x3C20] =	vst v9  }
0x10d: {  	v9 =	vld [tilespmem:s18+$0x3C20];
	[tilespmem:s15+$0x4030] =	vst v16  }
0x10e: {  	v16 =	vld [tilespmem:s18+$0x3840];
	[tilespmem:s15+$0x3450] =	vst v19  }
0x10f: {  	v19 =	vld [tilespmem:s18+$0x4070];
	[tilespmem:s15+$0x3440] =	vst v15  }
0x110: {  	v15 =	vld [tilespmem:s18+$0x4010];
	[tilespmem:s15+$0x4060] =	vst v11  }
0x111: {  	v11 =	vld [tilespmem:s18+$0x4050];
	[tilespmem:s15+$0x3C30] =	vst v4  }
0x112: {  	v4 =	vld [tilespmem:s18+$0x3C30];
	[tilespmem:s15+$0x3C40] =	vst v7  }
0x113: {  	v7 =	vld [tilespmem:s18+$0x3C40];
	[tilespmem:s15+$0x3410] =	vst v14  }
0x114: {  	v14 =	vld [tilespmem:s18+$0x4040];
	[tilespmem:s15+$0x3C50] =	vst v5  }
0x115: {  	v19 =	vmul.f32 $2.262741660e+01, v19;
	v5 =	vld [tilespmem:s18+$0x4000];
	[tilespmem:s15+$0x3C60] =	vst v6  }
0x116: {  	v6 =	vld [tilespmem:s18+$0x3830];
	[tilespmem:s15+$0x3400] =	vst v8  }
0x117: {  	v15 =	vmul.f32 $2.262741660e+01, v15;
	v8 =	vld [tilespmem:s18+$0x3820];
	[tilespmem:s15+$0x3C70] =	vst v3;
	s15 =	smov.u32 s18  }
0x118: {  	v11 =	vmul.f32 $2.262741660e+01, v11;
	v3 =	vld [tilespmem:s15+$0x3810];
	[tilespmem:s15+$0x4070] =	vst v19  }
0x119: {  	v19 =	vmul.f32 $2.262741660e+01, v16;
	[tilespmem:s15+$0x4010] =	vst v15;
	v15 =	vld [tilespmem:s15+$0x4020];
	v14 =	vmul.f32 $2.262741660e+01, v14  }
0x11a: {  	v20 =	vmul.f32 $2.262741660e+01, v17;
	v16 =	vld [tilespmem:s15+$0x3800];
	v5 =	vmul.f32 $2.262741660e+01, v5;
	[tilespmem:s15+$0x4050] =	vst v11  }
0x11b: {  	v11 =	vmul.f32 $2.262741660e+01, v18;
	v17 =	vld [tilespmem:s15+$0x3470];
	v6 =	vmul.f32 $2.262741660e+01, v6;
	[tilespmem:s15+$0x4040] =	vst v14  }
0x11c: {  	v10 =	vmul.f32 $2.262741660e+01, v10;
	v18 =	vld [tilespmem:s15+$0x3460];
	v8 =	vmul.f32 $2.262741660e+01, v8;
	[tilespmem:s15+$0x4000] =	vst v5  }
0x11d: {  	v12 =	vmul.f32 $2.262741660e+01, v12;
	v3 =	vmul.f32 $2.262741660e+01, v3;
	[tilespmem:s15+$0x3830] =	vst v6;
	v5 =	vld [tilespmem:s15+$0x3C50]  }
0x11e: {  	v13 =	vmul.f32 $2.262741660e+01, v13;
	[tilespmem:s15+$0x3820] =	vst v8;
	v6 =	vld [tilespmem:s15+$0x3C60];
	v8 =	vmul.f32 $2.262741660e+01, v15  }
0x11f: {  	v9 =	vmul.f32 $2.262741660e+01, v9;
	v15 =	vmul.f32 $2.262741660e+01, v16;
	[tilespmem:s15+$0x3810] =	vst v3;
	v3 =	vld [tilespmem:s15+$0x3C70]  }
0x120: {  	v4 =	vmul.f32 $2.262741660e+01, v4;
	v21 =	vld [tilespmem:s15+$0x3400];
	v16 =	vmul.f32 $2.262741660e+01, v17;
	[tilespmem:s15+$0x4020] =	vst v8  }
.Ltmp4:
0x121: {  	v7 =	vmul.f32 $2.262741660e+01, v7;
	v14 =	vld [tilespmem:s15+$0x3410];
	v8 =	vmul.f32 $2.262741660e+01, v18;
	[tilespmem:s15+$0x3800] =	vst v15;
	(pc) =	sbr.rel @p0 .LBB2_7-.Ltmp4, $4  }
0x122: {  	v15 =	vld [tilespmem:s15+$0x3440];
	[tilespmem:s15+$0x3470] =	vst v16;
	v5 =	vmul.f32 $2.262741660e+01, v5  }
0x123: {  	v16 =	vld [tilespmem:s15+$0x3420];
	[tilespmem:s15+$0x3460] =	vst v8;
	v6 =	vmul.f32 $2.262741660e+01, v6  }
0x124: {  	v17 =	vld [tilespmem:s15+$0x3430];
	[tilespmem:s15+$0x3840] =	vst v19;
	v3 =	vmul.f32 $2.262741660e+01, v3  }
0x125: {  	s17 =	sadd.s32 $0x80, s17;
	v8 =	vmul.f32 $2.262741660e+01, v21;
	[tilespmem:s15+$0x3850] =	vst v20;
	v18 =	vld [tilespmem:s15+$0x4030]  }
0x126: {  	[tilespmem:s15+$0x3860] =	vst v11  }
0x127: {  	[tilespmem:s15+$0x3870] =	vst v10  }
0x128: {  	[tilespmem:s15+$0x3C00] =	vst v12  }
0x129: {  	[tilespmem:s15+$0x3C10] =	vst v13  }
0x12a: {  	[tilespmem:s15+$0x3C20] =	vst v9  }
0x12b: {  	[tilespmem:s15+$0x3C30] =	vst v4  }
0x12c: {  	[tilespmem:s15+$0x3C40] =	vst v7  }
0x12d: {  	[tilespmem:s15+$0x3C50] =	vst v5  }
0x12e: {  	[tilespmem:s15+$0x3C60] =	vst v6  }
0x12f: {  	v56 =	vld [tilespmem:s15+$0x3450];
	v63 =	vmul.f32 $2.262741660e+01, v14;
	[tilespmem:s15+$0x3C70] =	vst v3  }
0x130: {  	v58 =	vld [tilespmem:s15+$0x4060];
	v61 =	vmul.f32 $2.262741660e+01, v15;
	[tilespmem:s15+$0x3400] =	vst v8  }
0x131: {  	v57 =	vmul.f32 $2.262741660e+01, v16;
	[tilespmem:s15+$0x3410] =	vst v63  }
0x132: {  	v59 =	vmul.f32 $2.262741660e+01, v17;
	[tilespmem:s15+$0x3440] =	vst v61  }
0x133: {  	s16 =	smul.u32 $0xC0, s13;
	p0 =	seq.s32 s13, $0x21;
	[tilespmem:s15+$0x3420] =	vst v57;
	v60 =	vmul.f32 $2.262741660e+01, v18  }
.Ltmp5:
0x134: {  	[tilespmem:s15+$0x3430] =	vst v59;
	v11 =	vmul.f32 $2.262741660e+01, v56;
	(pc) =	sbr.rel @p0 .LBB2_16-.Ltmp5, $4  }
0x135: {  	s16 =	sadd.s32 s7, s16;
	v62 =	vmul.f32 $2.262741660e+01, v58;
	[tilespmem:s15+$0x4030] =	vst v60  }
0x136: {  	s16 =	sshll.u32 s16, $0x6;
	[tilespmem:s15+$0x3450] =	vst v11  }
0x137: {  	s20 =	sadd.s32 s3, s16;
	[tilespmem:s15+$0x4060] =	vst v62  }
0x138: {  	[hbm4b:s20+s4] =	stream.linear.scatter [tilespmem:s12], [sflag:$0x4], $0x8000, $0x38;
	[tilespmem:$0x1B400] =	vst v63  }
0x139: {  	_ =	swait.ge [sflag:s1], $0x8000;
	s15 =	smul.u32 $0x600, s13  }
0x13a: {  	[sflag:s1] =	ssyncset.done $0x0  }
0x13b: {  	[sflag:s1] =	ssyncadd.s32 $0xFFFF8000;
	s15 =	sshra.s32 s15, $0x2  }
0x13c: {  	v3 =	vld [tilespmem:s15+$0x180];
	_ =	sdelay $0x4  }
0x13d: {  	v4 =	vshll.u32 v3, $0x2  }
0x13e: {  	v3 =	vand.u32 $0x7, v3;
	v4 =	vand.u32 $0xFFFFFFE0, v4  }
0x13f: {  	v3 =	vor.u32 v3, v4  }
0x140: {  	v4 =	vperm.xlane v3, v0;
	_ =	sdelay $0x1  }
0x141: {  	v4 =	vadd.s32 v1, v4;
	_ =	sdelay $0x1  }
0x142: {  	v3 =	vperm.xlane v3, v2;
	_ =	sdelay $0x1  }
0x143: {  	s16 =	simm.s32 $0x0;
	v3 =	vadd.s32 v1, v3  }
0x144: {  	[tilespmem:s12], [sflag:$0x1] =	stream.indirect_vreg.gather [hbm4b:s2+s16], $0x80, v4, vm0, $0xb8;
	[tilespmem:$0x1B400] =	vst v63  }
0x145: {  	s17 =	simm.s32 $0x3C00  }
0x146: {  	[tilespmem:s17], [sflag:$0x1] =	stream.indirect_vreg.gather [hbm4b:s8+s16], $0x80, v4, vm0, $0xb8;
	[tilespmem:$0x1B400] =	vst v63  }
0x147: {  	s19 =	simm.s32 $0x4400  }
0x148: {  	[tilespmem:s19], [sflag:$0x1] =	stream.indirect_vreg.gather [hbm4b:s2+s16], $0x80, v3, vm0, $0xb8;
	[tilespmem:$0x1B400] =	vst v63  }
0x149: {  	s20 =	simm.s32 $0x4C00  }
0x14a: {  	[tilespmem:s20], [sflag:$0x1] =	stream.indirect_vreg.gather [hbm4b:s8+s16], $0x80, v3, vm0, $0xb8;
	[tilespmem:$0x1B400] =	vst v63  }
0x14b: {  	v3 =	vld [tilespmem:s15+$0x190];
	_ =	sdelay $0x4  }
0x14c: {  	v4 =	vshll.u32 v3, $0x2  }
0x14d: {  	v3 =	vand.u32 $0x7, v3;
	v4 =	vand.u32 $0xFFFFFFE0, v4  }
0x14e: {  	v3 =	vor.u32 v3, v4  }
0x14f: {  	v4 =	vperm.xlane v3, v0;
	_ =	sdelay $0x1  }
0x150: {  	v4 =	vadd.s32 v1, v4;
	_ =	sdelay $0x1  }
0x151: {  	v3 =	vperm.xlane v3, v2;
	_ =	sdelay $0x1  }
0x152: {  	s18 =	simm.s32 $0x5400;
	v3 =	vadd.s32 v1, v3  }
0x153: {  	[tilespmem:s18], [sflag:$0x1] =	stream.indirect_vreg.gather [hbm4b:s2+s16], $0x80, v4, vm0, $0xb8;
	[tilespmem:$0x1B400] =	vst v63  }
0x154: {  	s19 =	simm.s32 $0x5C00  }
0x155: {  	[tilespmem:s19], [sflag:$0x1] =	stream.indirect_vreg.gather [hbm4b:s8+s16], $0x80, v4, vm0, $0xb8;
	[tilespmem:$0x1B400] =	vst v63  }
0x156: {  	s20 =	simm.s32 $0x6400  }
0x157: {  	[tilespmem:s20], [sflag:$0x1] =	stream.indirect_vreg.gather [hbm4b:s2+s16], $0x80, v3, vm0, $0xb8;
	[tilespmem:$0x1B400] =	vst v63  }
0x158: {  	s18 =	simm.s32 $0x6C00  }
0x159: {  	[tilespmem:s18], [sflag:$0x1] =	stream.indirect_vreg.gather [hbm4b:s8+s16], $0x80, v3, vm0, $0xb8;
	[tilespmem:$0x1B400] =	vst v63  }
0x15a: {  	v3 =	vld [tilespmem:s15+$0x1A0];
	_ =	sdelay $0x4  }
0x15b: {  	v4 =	vshll.u32 v3, $0x2  }
0x15c: {  	v3 =	vand.u32 $0x7, v3;
	v4 =	vand.u32 $0xFFFFFFE0, v4  }
0x15d: {  	v3 =	vor.u32 v3, v4  }
0x15e: {  	v4 =	vperm.xlane v3, v0;
	_ =	sdelay $0x1  }
0x15f: {  	v4 =	vadd.s32 v1, v4;
	_ =	sdelay $0x1  }
0x160: {  	v3 =	vperm.xlane v3, v2;
	_ =	sdelay $0x1  }
0x161: {  	s19 =	simm.s32 $0x7400;
	v3 =	vadd.s32 v1, v3  }
0x162: {  	[tilespmem:s19], [sflag:$0x1] =	stream.indirect_vreg.gather [hbm4b:s2+s16], $0x80, v4, vm0, $0xb8;
	[tilespmem:$0x1B400] =	vst v63  }
0x163: {  	_ = 	snop  }
0x164: {  	[tilespmem:s21], [sflag:$0x1] =	stream.indirect_vreg.gather [hbm4b:s8+s16], $0x80, v4, vm0, $0xb8;
	[tilespmem:$0x1B400] =	vst v63  }
0x165: {  	_ = 	snop  }
0x166: {  	[tilespmem:s22], [sflag:$0x1] =	stream.indirect_vreg.gather [hbm4b:s2+s16], $0x80, v3, vm0, $0xb8;
	[tilespmem:$0x1B400] =	vst v63  }
0x167: {  	_ = 	snop  }
0x168: {  	[tilespmem:s23], [sflag:$0x1] =	stream.indirect_vreg.gather [hbm4b:s8+s16], $0x80, v3, vm0, $0xb8;
	[tilespmem:$0x1B400] =	vst v63  }
0x169: {  	v3 =	vld [tilespmem:s15+$0x1B0];
	_ =	sdelay $0x4  }
0x16a: {  	v4 =	vshll.u32 v3, $0x2  }
0x16b: {  	v3 =	vand.u32 $0x7, v3;
	v4 =	vand.u32 $0xFFFFFFE0, v4  }
0x16c: {  	v3 =	vor.u32 v3, v4  }
0x16d: {  	v4 =	vperm.xlane v3, v0;
	_ =	sdelay $0x1  }
0x16e: {  	v4 =	vadd.s32 v1, v4;
	_ =	sdelay $0x1  }
0x16f: {  	v3 =	vperm.xlane v3, v2;
	_ =	sdelay $0x1  }
0x170: {  	v3 =	vadd.s32 v1, v3  }
0x171: {  	[tilespmem:s24], [sflag:$0x1] =	stream.indirect_vreg.gather [hbm4b:s2+s16], $0x80, v4, vm0, $0xb8;
	[tilespmem:$0x1B400] =	vst v63  }
0x172: {  	_ = 	snop  }
0x173: {  	[tilespmem:s25], [sflag:$0x1] =	stream.indirect_vreg.gather [hbm4b:s8+s16], $0x80, v4, vm0, $0xb8;
	[tilespmem:$0x1B400] =	vst v63  }
0x174: {  	_ = 	snop  }
0x175: {  	[tilespmem:s26], [sflag:$0x1] =	stream.indirect_vreg.gather [hbm4b:s2+s16], $0x80, v3, vm0, $0xb8;
	[tilespmem:$0x1B400] =	vst v63  }
0x176: {  	_ = 	snop  }
0x177: {  	[tilespmem:s28], [sflag:$0x1] =	stream.indirect_vreg.gather [hbm4b:s8+s16], $0x80, v3, vm0, $0xb8;
	[tilespmem:$0x1B400] =	vst v63  }
0x178: {  	_ =	swait.ge [sflag:s0], $0x8000  }
0x179: {  	s20 =	sand.u32 $0x7000, s16;
	s16 =	sand.u32 $0x380, s16;
	[sflag:s0] =	ssyncset.done $0x0  }
0x17a: {  	s16 =	sor.u32 s16, s20;
	[sflag:s0] =	ssyncadd.s32 $0xFFFF8000  }
0x17b: {  	v3 =	vld [tilespmem:s16+$0xB870]  }
0x17c: {  	v4 =	vld [tilespmem:s16+$0xBC00]  }
0x17d: {  	v5 =	vld [tilespmem:s16+$0xBC10]  }
0x17e: {  	v6 =	vld [tilespmem:s16+$0xB860]  }
0x17f: {  	v7 =	vld [tilespmem:s16+$0xB850]  }
0x180: {  	v8 =	vld [tilespmem:s16+$0xBC20]  }
0x181: {  	v9 =	vld [tilespmem:s16+$0xB840]  }
0x182: {  	v10 =	vld [tilespmem:s16+$0xC070]  }
0x183: {  	v11 =	vld [tilespmem:s16+$0xC010]  }
0x184: {  	v12 =	vld [tilespmem:s16+$0xC050]  }
0x185: {  	v16 =	vld [tilespmem:s16+$0xBC30]  }
0x186: {  	v17 =	vld [tilespmem:s16+$0xBC40]  }
0x187: {  	v14 =	vld [tilespmem:s16+$0xC000]  }
0x188: {  	v13 =	vld [tilespmem:s16+$0xC040]  }
0x189: {  	v15 =	vld [tilespmem:s16+$0xB830];
	v11 =	vmul.f32 $2.262741660e+01, v11  }
0x18a: {  	v18 =	vld [tilespmem:s16+$0xB820];
	v10 =	vmul.f32 $2.262741660e+01, v10  }
0x18b: {  	v19 =	vld [tilespmem:s16+$0xB810];
	v12 =	vmul.f32 $2.262741660e+01, v12;
	[tilespmem:s16+$0xC010] =	vst v11  }
0x18c: {  	v20 =	vld [tilespmem:s16+$0xB460];
	v14 =	vmul.f32 $2.262741660e+01, v14;
	[tilespmem:s16+$0xC070] =	vst v10  }
0x18d: {  	v24 =	vld [tilespmem:s16+$0xB400];
	v11 =	vmul.f32 $2.262741660e+01, v13;
	[tilespmem:s16+$0xC050] =	vst v12  }
0x18e: {  	v15 =	vmul.f32 $2.262741660e+01, v15;
	v10 =	vld [tilespmem:s16+$0xC020];
	[tilespmem:s16+$0xC000] =	vst v14  }
0x18f: {  	v13 =	vld [tilespmem:s16+$0xB800];
	[tilespmem:s16+$0xC040] =	vst v11;
	v11 =	vmul.f32 $2.262741660e+01, v18  }
0x190: {  	v12 =	vld [tilespmem:s16+$0xB470];
	[tilespmem:s16+$0xB830] =	vst v15;
	v18 =	vmul.f32 $2.262741660e+01, v9;
	v9 =	vmul.f32 $2.262741660e+01, v19  }
0x191: {  	v22 =	vld [tilespmem:s16+$0xBC60];
	v21 =	vmul.f32 $2.262741660e+01, v7;
	v20 =	vmul.f32 $2.262741660e+01, v20;
	[tilespmem:s16+$0xB820] =	vst v11  }
0x192: {  	v19 =	vld [tilespmem:s16+$0xBC50];
	v11 =	vmul.f32 $2.262741660e+01, v6;
	[tilespmem:s16+$0xB810] =	vst v9;
	v9 =	vmul.f32 $2.262741660e+01, v8  }
0x193: {  	v23 =	vld [tilespmem:s16+$0xBC70];
	[tilespmem:s16+$0xB460] =	vst v20;
	v8 =	vmul.f32 $2.262741660e+01, v24;
	v7 =	vmul.f32 $2.262741660e+01, v10  }
0x194: {  	v14 =	vld [tilespmem:s16+$0xB410];
	[tilespmem:s16+$0xB850] =	vst v21;
	v6 =	vmul.f32 $2.262741660e+01, v13;
	v10 =	vmul.f32 $2.262741660e+01, v3  }
0x195: {  	v15 =	vld [tilespmem:s16+$0xB440];
	[tilespmem:s16+$0xB840] =	vst v18;
	v3 =	vmul.f32 $2.262741660e+01, v12;
	v12 =	vmul.f32 $2.262741660e+01, v4  }
0x196: {  	v13 =	vmul.f32 $2.262741660e+01, v5;
	v4 =	vmul.f32 $2.262741660e+01, v16;
	v16 =	vld [tilespmem:s16+$0xB420];
	[tilespmem:s16+$0xC020] =	vst v7  }
0x197: {  	[tilespmem:s16+$0xB800] =	vst v6;
	v7 =	vmul.f32 $2.262741660e+01, v17;
	v5 =	vmul.f32 $2.262741660e+01, v19;
	v17 =	vld [tilespmem:s16+$0xB430]  }
0x198: {  	s17 =	simm.s32 $0x200;
	s18 =	simm.s32 $0x80;
	v18 =	vld [tilespmem:s16+$0xC030];
	[tilespmem:s16+$0xB470] =	vst v3;
	v6 =	vmul.f32 $2.262741660e+01, v22;
	v3 =	vmul.f32 $2.262741660e+01, v23  }
.LBB2_10:
0x199: {  	s19 =	sand.u32 $0x7000, s17;
	s20 =	sand.u32 $0x380, s18;
	v14 =	vmul.f32 $2.262741660e+01, v14;
	[tilespmem:s16+$0xB860] =	vst v11;
	v11 =	vld [tilespmem:s16+$0xC060]  }
0x19a: {  	p0 =	sne.s32 s17, $0x7E00;
	s17 =	sadd.s32 $0x200, s17;
	s19 =	sor.u32 s20, s19;
	v15 =	vmul.f32 $2.262741660e+01, v15;
	v19 =	vld [tilespmem:s16+$0xB450];
	[tilespmem:s16+$0xB870] =	vst v10  }
0x19b: {  	v10 =	vld [tilespmem:s19+$0xB870];
	v16 =	vmul.f32 $2.262741660e+01, v16;
	[tilespmem:s16+$0xBC00] =	vst v12  }
0x19c: {  	v12 =	vld [tilespmem:s19+$0xBC00];
	v17 =	vmul.f32 $2.262741660e+01, v17;
	[tilespmem:s16+$0xBC10] =	vst v13  }
0x19d: {  	v13 =	vld [tilespmem:s19+$0xBC10];
	[tilespmem:s16+$0xB420] =	vst v16;
	v16 =	vmul.f32 $2.262741660e+01, v18  }
0x19e: {  	v18 =	vld [tilespmem:s19+$0xB860];
	[tilespmem:s16+$0xB430] =	vst v17;
	v11 =	vmul.f32 $2.262741660e+01, v11  }
0x19f: {  	v17 =	vld [tilespmem:s19+$0xB850];
	v19 =	vmul.f32 $2.262741660e+01, v19;
	[tilespmem:s16+$0xBC20] =	vst v9  }
0x1a0: {  	v9 =	vld [tilespmem:s19+$0xBC20];
	[tilespmem:s16+$0xC030] =	vst v16  }
0x1a1: {  	v16 =	vld [tilespmem:s19+$0xB840];
	[tilespmem:s16+$0xB450] =	vst v19  }
0x1a2: {  	v19 =	vld [tilespmem:s19+$0xC070];
	[tilespmem:s16+$0xB440] =	vst v15  }
0x1a3: {  	v15 =	vld [tilespmem:s19+$0xC010];
	[tilespmem:s16+$0xC060] =	vst v11  }
0x1a4: {  	v11 =	vld [tilespmem:s19+$0xC050];
	[tilespmem:s16+$0xBC30] =	vst v4  }
0x1a5: {  	v4 =	vld [tilespmem:s19+$0xBC30];
	[tilespmem:s16+$0xBC40] =	vst v7  }
0x1a6: {  	v7 =	vld [tilespmem:s19+$0xBC40];
	[tilespmem:s16+$0xB410] =	vst v14  }
0x1a7: {  	v14 =	vld [tilespmem:s19+$0xC040];
	[tilespmem:s16+$0xBC50] =	vst v5  }
0x1a8: {  	v19 =	vmul.f32 $2.262741660e+01, v19;
	v5 =	vld [tilespmem:s19+$0xC000];
	[tilespmem:s16+$0xBC60] =	vst v6  }
0x1a9: {  	v6 =	vld [tilespmem:s19+$0xB830];
	[tilespmem:s16+$0xB400] =	vst v8  }
0x1aa: {  	v15 =	vmul.f32 $2.262741660e+01, v15;
	v8 =	vld [tilespmem:s19+$0xB820];
	[tilespmem:s16+$0xBC70] =	vst v3;
	s16 =	smov.u32 s19  }
0x1ab: {  	v11 =	vmul.f32 $2.262741660e+01, v11;
	v3 =	vld [tilespmem:s16+$0xB810];
	[tilespmem:s16+$0xC070] =	vst v19  }
0x1ac: {  	v19 =	vmul.f32 $2.262741660e+01, v16;
	[tilespmem:s16+$0xC010] =	vst v15;
	v15 =	vld [tilespmem:s16+$0xC020];
	v14 =	vmul.f32 $2.262741660e+01, v14  }
0x1ad: {  	v20 =	vmul.f32 $2.262741660e+01, v17;
	v16 =	vld [tilespmem:s16+$0xB800];
	v5 =	vmul.f32 $2.262741660e+01, v5;
	[tilespmem:s16+$0xC050] =	vst v11  }
0x1ae: {  	v11 =	vmul.f32 $2.262741660e+01, v18;
	v17 =	vld [tilespmem:s16+$0xB470];
	v6 =	vmul.f32 $2.262741660e+01, v6;
	[tilespmem:s16+$0xC040] =	vst v14  }
0x1af: {  	v10 =	vmul.f32 $2.262741660e+01, v10;
	v18 =	vld [tilespmem:s16+$0xB460];
	v8 =	vmul.f32 $2.262741660e+01, v8;
	[tilespmem:s16+$0xC000] =	vst v5  }
0x1b0: {  	v12 =	vmul.f32 $2.262741660e+01, v12;
	v3 =	vmul.f32 $2.262741660e+01, v3;
	[tilespmem:s16+$0xB830] =	vst v6;
	v5 =	vld [tilespmem:s16+$0xBC50]  }
0x1b1: {  	v13 =	vmul.f32 $2.262741660e+01, v13;
	[tilespmem:s16+$0xB820] =	vst v8;
	v6 =	vld [tilespmem:s16+$0xBC60];
	v8 =	vmul.f32 $2.262741660e+01, v15  }
0x1b2: {  	v9 =	vmul.f32 $2.262741660e+01, v9;
	v15 =	vmul.f32 $2.262741660e+01, v16;
	[tilespmem:s16+$0xB810] =	vst v3;
	v3 =	vld [tilespmem:s16+$0xBC70]  }
0x1b3: {  	v4 =	vmul.f32 $2.262741660e+01, v4;
	v21 =	vld [tilespmem:s16+$0xB400];
	v16 =	vmul.f32 $2.262741660e+01, v17;
	[tilespmem:s16+$0xC020] =	vst v8  }
.Ltmp6:
0x1b4: {  	v7 =	vmul.f32 $2.262741660e+01, v7;
	v14 =	vld [tilespmem:s16+$0xB410];
	v8 =	vmul.f32 $2.262741660e+01, v18;
	[tilespmem:s16+$0xB800] =	vst v15;
	(pc) =	sbr.rel @p0 .LBB2_10-.Ltmp6, $4  }
0x1b5: {  	v15 =	vld [tilespmem:s16+$0xB440];
	[tilespmem:s16+$0xB470] =	vst v16;
	v5 =	vmul.f32 $2.262741660e+01, v5  }
0x1b6: {  	v16 =	vld [tilespmem:s16+$0xB420];
	[tilespmem:s16+$0xB460] =	vst v8;
	v6 =	vmul.f32 $2.262741660e+01, v6  }
0x1b7: {  	v17 =	vld [tilespmem:s16+$0xB430];
	[tilespmem:s16+$0xB840] =	vst v19;
	v3 =	vmul.f32 $2.262741660e+01, v3  }
0x1b8: {  	s18 =	sadd.s32 $0x80, s18;
	v8 =	vmul.f32 $2.262741660e+01, v21;
	[tilespmem:s16+$0xB850] =	vst v20;
	v18 =	vld [tilespmem:s16+$0xC030]  }
0x1b9: {  	[tilespmem:s16+$0xB860] =	vst v11  }
0x1ba: {  	[tilespmem:s16+$0xB870] =	vst v10  }
0x1bb: {  	[tilespmem:s16+$0xBC00] =	vst v12  }
0x1bc: {  	[tilespmem:s16+$0xBC10] =	vst v13  }
0x1bd: {  	[tilespmem:s16+$0xBC20] =	vst v9  }
0x1be: {  	[tilespmem:s16+$0xBC30] =	vst v4  }
0x1bf: {  	[tilespmem:s16+$0xBC40] =	vst v7  }
0x1c0: {  	[tilespmem:s16+$0xBC50] =	vst v5  }
0x1c1: {  	[tilespmem:s16+$0xBC60] =	vst v6  }
0x1c2: {  	v56 =	vld [tilespmem:s16+$0xB450];
	v63 =	vmul.f32 $2.262741660e+01, v14;
	[tilespmem:s16+$0xBC70] =	vst v3  }
0x1c3: {  	v58 =	vld [tilespmem:s16+$0xC060];
	v61 =	vmul.f32 $2.262741660e+01, v15;
	[tilespmem:s16+$0xB400] =	vst v8  }
0x1c4: {  	v57 =	vmul.f32 $2.262741660e+01, v16;
	[tilespmem:s16+$0xB410] =	vst v63  }
0x1c5: {  	v59 =	vmul.f32 $2.262741660e+01, v17;
	[tilespmem:s16+$0xB440] =	vst v61  }
0x1c6: {  	s17 =	smul.u32 $0x18000, s13;
	p0 =	sgt.u32 s13, $0x1F;
	[tilespmem:s16+$0xB420] =	vst v57;
	v60 =	vmul.f32 $2.262741660e+01, v18  }
.Ltmp7:
0x1c7: {  	[tilespmem:s16+$0xB430] =	vst v59;
	v11 =	vmul.f32 $2.262741660e+01, v56;
	(pc) =	sbr.rel @p0 .LBB2_13-.Ltmp7, $4  }
0x1c8: {  	s17 =	sadd.s32 s17, s9;
	v62 =	vmul.f32 $2.262741660e+01, v58;
	[tilespmem:s16+$0xC030] =	vst v60  }
0x1c9: {  	s17 =	sshrl.u32 s17, $0x3;
	[tilespmem:s16+$0xB450] =	vst v11  }
0x1ca: {  	s20 =	sadd.s32 s3, s17;
	[tilespmem:s16+$0xC060] =	vst v62  }
0x1cb: {  	[hbm4b:s20+s4] =	stream.linear.scatter [tilespmem:s29], [sflag:$0x5], $0x8000, $0x38;
	[tilespmem:$0x1B400] =	vst v63  }
0x1cc: {  	_ =	swait.ge [sflag:s11], $0x8000  }
0x1cd: {  	[sflag:s11] =	ssyncset.done $0x0  }
0x1ce: {  	[sflag:s11] =	ssyncadd.s32 $0xFFFF8000  }
0x1cf: {  	v3 =	vld [tilespmem:s15+$0x200];
	_ =	sdelay $0x4  }
0x1d0: {  	v4 =	vshll.u32 v3, $0x2  }
0x1d1: {  	v3 =	vand.u32 $0x7, v3;
	v4 =	vand.u32 $0xFFFFFFE0, v4  }
0x1d2: {  	v3 =	vor.u32 v3, v4  }
0x1d3: {  	v4 =	vperm.xlane v3, v0;
	_ =	sdelay $0x1  }
0x1d4: {  	v4 =	vadd.s32 v1, v4;
	_ =	sdelay $0x1  }
0x1d5: {  	v3 =	vperm.xlane v3, v2;
	_ =	sdelay $0x1  }
0x1d6: {  	v3 =	vadd.s32 v1, v3  }
0x1d7: {  	[tilespmem:s29], [sflag:$0x2] =	stream.indirect_vreg.gather [hbm4b:s2+s4], $0x80, v4, vm0, $0xb8;
	[tilespmem:$0x1B400] =	vst v63  }
0x1d8: {  	s16 =	simm.s32 $0xBC00  }
0x1d9: {  	[tilespmem:s16], [sflag:$0x2] =	stream.indirect_vreg.gather [hbm4b:s8+s4], $0x80, v4, vm0, $0xb8;
	[tilespmem:$0x1B400] =	vst v63  }
0x1da: {  	s19 =	simm.s32 $0xC400  }
0x1db: {  	[tilespmem:s19], [sflag:$0x2] =	stream.indirect_vreg.gather [hbm4b:s2+s4], $0x80, v3, vm0, $0xb8;
	[tilespmem:$0x1B400] =	vst v63  }
0x1dc: {  	s20 =	simm.s32 $0xCC00  }
0x1dd: {  	[tilespmem:s20], [sflag:$0x2] =	stream.indirect_vreg.gather [hbm4b:s8+s4], $0x80, v3, vm0, $0xb8;
	[tilespmem:$0x1B400] =	vst v63  }
0x1de: {  	v3 =	vld [tilespmem:s15+$0x210];
	_ =	sdelay $0x4  }
0x1df: {  	v61 =	vshll.u32 v3, $0x2  }
0x1e0: {  	v3 =	vand.u32 $0x7, v3;
	v4 =	vand.u32 $0xFFFFFFE0, v61  }
0x1e1: {  	v3 =	vor.u32 v3, v4  }
0x1e2: {  	v4 =	vperm.xlane v3, v0;
	_ =	sdelay $0x1  }
0x1e3: {  	v4 =	vadd.s32 v1, v4;
	_ =	sdelay $0x1  }
0x1e4: {  	v3 =	vperm.xlane v3, v2;
	_ =	sdelay $0x1  }
0x1e5: {  	s17 =	simm.s32 $0xD400;
	v3 =	vadd.s32 v1, v3  }
0x1e6: {  	[tilespmem:s17], [sflag:$0x2] =	stream.indirect_vreg.gather [hbm4b:s2+s4], $0x80, v4, vm0, $0xb8;
	[tilespmem:$0x1B400] =	vst v63  }
0x1e7: {  	s18 =	simm.s32 $0xDC00  }
0x1e8: {  	[tilespmem:s18], [sflag:$0x2] =	stream.indirect_vreg.gather [hbm4b:s8+s4], $0x80, v4, vm0, $0xb8;
	[tilespmem:$0x1B400] =	vst v63  }
0x1e9: {  	s19 =	simm.s32 $0xE400  }
0x1ea: {  	[tilespmem:s19], [sflag:$0x2] =	stream.indirect_vreg.gather [hbm4b:s2+s4], $0x80, v3, vm0, $0xb8;
	[tilespmem:$0x1B400] =	vst v63  }
0x1eb: {  	s20 =	simm.s32 $0xEC00  }
0x1ec: {  	[tilespmem:s20], [sflag:$0x2] =	stream.indirect_vreg.gather [hbm4b:s8+s4], $0x80, v3, vm0, $0xb8;
	[tilespmem:$0x1B400] =	vst v63  }
0x1ed: {  	v3 =	vld [tilespmem:s15+$0x220];
	_ =	sdelay $0x4  }
0x1ee: {  	v62 =	vshll.u32 v3, $0x2  }
0x1ef: {  	v3 =	vand.u32 $0x7, v3;
	v4 =	vand.u32 $0xFFFFFFE0, v62  }
0x1f0: {  	v3 =	vor.u32 v3, v4  }
0x1f1: {  	v4 =	vperm.xlane v3, v0;
	_ =	sdelay $0x1  }
0x1f2: {  	v4 =	vadd.s32 v1, v4;
	_ =	sdelay $0x1  }
0x1f3: {  	v3 =	vperm.xlane v3, v2;
	_ =	sdelay $0x1  }
0x1f4: {  	s17 =	simm.s32 $0xF400;
	v3 =	vadd.s32 v1, v3  }
0x1f5: {  	[tilespmem:s17], [sflag:$0x2] =	stream.indirect_vreg.gather [hbm4b:s2+s4], $0x80, v4, vm0, $0xb8;
	[tilespmem:$0x1B400] =	vst v63  }
0x1f6: {  	s18 =	simm.s32 $0xFC00  }
0x1f7: {  	[tilespmem:s18], [sflag:$0x2] =	stream.indirect_vreg.gather [hbm4b:s8+s4], $0x80, v4, vm0, $0xb8;
	[tilespmem:$0x1B400] =	vst v63  }
0x1f8: {  	s19 =	simm.s32 $0x10400  }
0x1f9: {  	[tilespmem:s19], [sflag:$0x2] =	stream.indirect_vreg.gather [hbm4b:s2+s4], $0x80, v3, vm0, $0xb8;
	[tilespmem:$0x1B400] =	vst v63  }
0x1fa: {  	s20 =	simm.s32 $0x10C00  }
0x1fb: {  	[tilespmem:s20], [sflag:$0x2] =	stream.indirect_vreg.gather [hbm4b:s8+s4], $0x80, v3, vm0, $0xb8;
	[tilespmem:$0x1B400] =	vst v63  }
0x1fc: {  	v3 =	vld [tilespmem:s15+$0x230];
	_ =	sdelay $0x4  }
0x1fd: {  	v63 =	vshll.u32 v3, $0x2  }
0x1fe: {  	v3 =	vand.u32 $0x7, v3;
	v4 =	vand.u32 $0xFFFFFFE0, v63  }
0x1ff: {  	v3 =	vor.u32 v3, v4  }
0x200: {  	v4 =	vperm.xlane v3, v0;
	_ =	sdelay $0x1  }
0x201: {  	v4 =	vadd.s32 v1, v4;
	_ =	sdelay $0x1  }
0x202: {  	v3 =	vperm.xlane v3, v2;
	_ =	sdelay $0x1  }
0x203: {  	s17 =	simm.s32 $0x11400;
	v3 =	vadd.s32 v1, v3  }
0x204: {  	[tilespmem:s17], [sflag:$0x2] =	stream.indirect_vreg.gather [hbm4b:s2+s4], $0x80, v4, vm0, $0xb8;
	[tilespmem:$0x1B400] =	vst v63  }
0x205: {  	s18 =	simm.s32 $0x11C00  }
0x206: {  	[tilespmem:s18], [sflag:$0x2] =	stream.indirect_vreg.gather [hbm4b:s8+s4], $0x80, v4, vm0, $0xb8;
	[tilespmem:$0x1B400] =	vst v63  }
0x207: {  	s19 =	simm.s32 $0x12400  }
0x208: {  	[tilespmem:s19], [sflag:$0x2] =	stream.indirect_vreg.gather [hbm4b:s2+s4], $0x80, v3, vm0, $0xb8;
	[tilespmem:$0x1B400] =	vst v63  }
0x209: {  	s20 =	simm.s32 $0x12C00  }
0x20a: {  	[tilespmem:s20], [sflag:$0x2] =	stream.indirect_vreg.gather [hbm4b:s8+s4], $0x80, v3, vm0, $0xb8;
	[tilespmem:$0x1B400] =	vst v63  }
.LBB2_13:
0x20b: {  	_ =	swait.ge [sflag:s6], $0x8000;
	s15 =	simm.s32 $0x0  }
0x20c: {  	[sflag:s6] =	ssyncset.done $0x0;
	s16 =	sand.u32 $0x7000, s15;
	s15 =	sand.u32 $0x380, s15  }
0x20d: {  	[sflag:s6] =	ssyncadd.s32 $0xFFFF8000;
	s16 =	sor.u32 s15, s16  }
0x20e: {  	s15 =	sadd.s32 $0x13400, s16;
	v3 =	vld [tilespmem:s16+$0x13400]  }
0x20f: {  	v4 =	vld [tilespmem:s15+$0x810]  }
0x210: {  	v5 =	vld [tilespmem:s15+$0x800]  }
0x211: {  	v6 =	vld [tilespmem:s15+$0x470]  }
0x212: {  	v7 =	vld [tilespmem:s15+$0x450]  }
0x213: {  	v8 =	vld [tilespmem:s15+$0x440]  }
0x214: {  	v9 =	vld [tilespmem:s15+$0x430]  }
0x215: {  	v10 =	vld [tilespmem:s15+$0x420]  }
0x216: {  	v11 =	vld [tilespmem:s15+$0x410]  }
0x217: {  	v12 =	vld [tilespmem:s15+$0xC70]  }
0x218: {  	v13 =	vld [tilespmem:s15+$0x400]  }
0x219: {  	v14 =	vld [tilespmem:s15+$0xC20]  }
0x21a: {  	v15 =	vld [tilespmem:s15+$0xC40];
	v3 =	vmul.f32 $2.262741660e+01, v3  }
0x21b: {  	v17 =	vld [tilespmem:s15+$0x460];
	v10 =	vmul.f32 $2.262741660e+01, v10  }
0x21c: {  	v18 =	vld [tilespmem:s15+$0x830];
	v11 =	vmul.f32 $2.262741660e+01, v11;
	[tilespmem:s16+$0x13400] =	vst v3  }
0x21d: {  	v13 =	vmul.f32 $2.262741660e+01, v13;
	v3 =	vld [tilespmem:s15+$0x70];
	[tilespmem:s15+$0x420] =	vst v10  }
0x21e: {  	v14 =	vmul.f32 $2.262741660e+01, v14;
	v16 =	vld [tilespmem:s15+$0x30];
	[tilespmem:s15+$0x410] =	vst v11  }
0x21f: {  	v9 =	vmul.f32 $2.262741660e+01, v9;
	v10 =	vmul.f32 $2.262741660e+01, v12;
	v12 =	vld [tilespmem:s15+$0x20];
	[tilespmem:s15+$0x400] =	vst v13  }
0x220: {  	v8 =	vmul.f32 $2.262741660e+01, v8;
	v11 =	vld [tilespmem:s15+$0x10];
	[tilespmem:s15+$0xC20] =	vst v14  }
0x221: {  	v20 =	vld [tilespmem:s15+$0x40];
	[tilespmem:s15+$0x430] =	vst v9  }
0x222: {  	v14 =	vld [tilespmem:s15+$0x840];
	[tilespmem:s15+$0x440] =	vst v8;
	v3 =	vmul.f32 $2.262741660e+01, v3  }
0x223: {  	[tilespmem:s15+$0xC70] =	vst v10;
	v10 =	vld [tilespmem:s15+$0x820];
	v13 =	vmul.f32 $2.262741660e+01, v16  }
0x224: {  	v12 =	vmul.f32 $2.262741660e+01, v12;
	[tilespmem:s15+$0x70] =	vst v3;
	v3 =	vld [tilespmem:s15+$0x850]  }
0x225: {  	v11 =	vmul.f32 $2.262741660e+01, v11;
	[tilespmem:s15+$0x30] =	vst v13;
	v13 =	vmul.f32 $2.262741660e+01, v15;
	v15 =	vld [tilespmem:s15+$0x860]  }
0x226: {  	v19 =	vmul.f32 $2.262741660e+01, v7;
	v17 =	vmul.f32 $2.262741660e+01, v17;
	[tilespmem:s15+$0x20] =	vst v12;
	v12 =	vld [tilespmem:s15+$0x870]  }
0x227: {  	v21 =	vmul.f32 $2.262741660e+01, v6;
	v7 =	vmul.f32 $2.262741660e+01, v5;
	[tilespmem:s15+$0x10] =	vst v11;
	v11 =	vld [tilespmem:s15+$0xC00]  }
0x228: {  	v6 =	vmul.f32 $2.262741660e+01, v4;
	v8 =	vmul.f32 $2.262741660e+01, v18;
	[tilespmem:s15+$0xC40] =	vst v13;
	v13 =	vld [tilespmem:s15+$0x50]  }
0x229: {  	[tilespmem:s15+$0x450] =	vst v19;
	v5 =	vmul.f32 $2.262741660e+01, v14;
	v16 =	vld [tilespmem:s15+$0x60];
	v4 =	vmul.f32 $2.262741660e+01, v10  }
0x22a: {  	[tilespmem:s15+$0x460] =	vst v17;
	v14 =	vld [tilespmem:s15+$0xC10];
	v9 =	vmul.f32 $2.262741660e+01, v3;
	v10 =	vmul.f32 $2.262741660e+01, v15  }
0x22b: {  	s17 =	simm.s32 $0x80;
	s16 =	simm.s32 $0x200;
	[tilespmem:s15+$0x470] =	vst v21;
	v3 =	vmul.f32 $2.262741660e+01, v12;
	v12 =	vmul.f32 $2.262741660e+01, v20;
	v15 =	vld [tilespmem:s15+$0xC30]  }
.LBB2_14:
0x22c: {  	s18 =	sand.u32 $0x7000, s16;
	s19 =	sand.u32 $0x380, s17;
	[tilespmem:s15+$0x800] =	vst v7;
	v7 =	vmul.f32 $2.262741660e+01, v11;
	v11 =	vld [tilespmem:s15+$0xC50]  }
0x22d: {  	p0 =	sne.s32 s16, $0x7E00;
	s16 =	sadd.s32 $0x200, s16;
	s18 =	sor.u32 s19, s18;
	v13 =	vmul.f32 $2.262741660e+01, v13;
	[tilespmem:s15+$0x810] =	vst v6;
	v6 =	vld [tilespmem:s15+$0xC60]  }
0x22e: {  	s19 =	sadd.s32 $0x13400, s18;
	v17 =	vld [tilespmem:s18+$0x13400];
	v16 =	vmul.f32 $2.262741660e+01, v16;
	[tilespmem:s15+$0x820] =	vst v4  }
0x22f: {  	v4 =	vld [tilespmem:s19+$0x810];
	[tilespmem:s15+$0x830] =	vst v8;
	v8 =	vmul.f32 $2.262741660e+01, v14  }
0x230: {  	v14 =	vld [tilespmem:s19+$0x800];
	[tilespmem:s15+$0x840] =	vst v5;
	v5 =	vmul.f32 $2.262741660e+01, v15  }
0x231: {  	v15 =	vld [tilespmem:s19+$0x470];
	[tilespmem:s15+$0x850] =	vst v9;
	v9 =	vmul.f32 $2.262741660e+01, v11  }
0x232: {  	v11 =	vld [tilespmem:s19+$0x460];
	[tilespmem:s15+$0x860] =	vst v10;
	v6 =	vmul.f32 $2.262741660e+01, v6  }
0x233: {  	v10 =	vmul.f32 $2.262741660e+01, v17;
	v17 =	vld [tilespmem:s19+$0x450];
	[tilespmem:s15+$0x40] =	vst v12  }
0x234: {  	v12 =	vld [tilespmem:s19+$0x440];
	[tilespmem:s15+$0xC60] =	vst v6  }
0x235: {  	v6 =	vld [tilespmem:s19+$0x430];
	[tilespmem:s15+$0x60] =	vst v16  }
0x236: {  	v16 =	vld [tilespmem:s19+$0x420];
	[tilespmem:s15+$0x50] =	vst v13  }
0x237: {  	v13 =	vld [tilespmem:s19+$0x410];
	[tilespmem:s15+$0xC50] =	vst v9  }
0x238: {  	v9 =	vld [tilespmem:s19+$0xC70];
	[tilespmem:s15+$0xC00] =	vst v7  }
0x239: {  	v7 =	vld [tilespmem:s19+$0x400];
	[tilespmem:s15+$0x870] =	vst v3  }
0x23a: {  	v3 =	vld [tilespmem:s19+$0xC20];
	[tilespmem:s15+$0xC10] =	vst v8  }
0x23b: {  	v8 =	vmul.f32 $2.262741660e+01, v16;
	v16 =	vld [tilespmem:s19+$0xC40];
	[tilespmem:s15+$0xC30] =	vst v5;
	s15 =	smov.u32 s19  }
0x23c: {  	[tilespmem:s18+$0x13400] =	vst v10;
	v5 =	vld [tilespmem:s15+$0x70];
	v10 =	vmul.f32 $2.262741660e+01, v13  }
0x23d: {  	v13 =	vld [tilespmem:s15+$0x30];
	[tilespmem:s15+$0x420] =	vst v8;
	v8 =	vmul.f32 $2.262741660e+01, v9  }
0x23e: {  	v9 =	vld [tilespmem:s15+$0x20];
	v7 =	vmul.f32 $2.262741660e+01, v7;
	[tilespmem:s15+$0x410] =	vst v10;
	v10 =	vmul.f32 $2.262741660e+01, v6  }
0x23f: {  	v12 =	vmul.f32 $2.262741660e+01, v12;
	v6 =	vld [tilespmem:s15+$0x10];
	v3 =	vmul.f32 $2.262741660e+01, v3;
	[tilespmem:s15+$0xC70] =	vst v8  }
0x240: {  	v17 =	vmul.f32 $2.262741660e+01, v17;
	[tilespmem:s15+$0x400] =	vst v7;
	v8 =	vld [tilespmem:s15+$0x820];
	v7 =	vmul.f32 $2.262741660e+01, v16  }
0x241: {  	v18 =	vmul.f32 $2.262741660e+01, v11;
	v5 =	vmul.f32 $2.262741660e+01, v5;
	v11 =	vld [tilespmem:s15+$0x830];
	[tilespmem:s15+$0xC20] =	vst v3  }
0x242: {  	v15 =	vmul.f32 $2.262741660e+01, v15;
	v3 =	vmul.f32 $2.262741660e+01, v13;
	v13 =	vld [tilespmem:s15+$0x840];
	[tilespmem:s15+$0xC40] =	vst v7  }
0x243: {  	v7 =	vmul.f32 $2.262741660e+01, v14;
	v9 =	vmul.f32 $2.262741660e+01, v9;
	[tilespmem:s15+$0x70] =	vst v5;
	v14 =	vld [tilespmem:s15+$0x850]  }
0x244: {  	v5 =	vmul.f32 $2.262741660e+01, v6;
	[tilespmem:s15+$0x30] =	vst v3;
	v6 =	vmul.f32 $2.262741660e+01, v4;
	v3 =	vld [tilespmem:s15+$0x860]  }
0x245: {  	[tilespmem:s15+$0x20] =	vst v9;
	v4 =	vmul.f32 $2.262741660e+01, v8;
	v19 =	vld [tilespmem:s15+$0x870]  }
0x246: {  	[tilespmem:s15+$0x10] =	vst v5;
	v20 =	vld [tilespmem:s15+$0x40];
	v8 =	vmul.f32 $2.262741660e+01, v11  }
.Ltmp8:
0x247: {  	[tilespmem:s15+$0x430] =	vst v10;
	v5 =	vmul.f32 $2.262741660e+01, v13;
	v11 =	vld [tilespmem:s15+$0xC00];
	(pc) =	sbr.rel @p0 .LBB2_14-.Ltmp8, $4  }
0x248: {  	v13 =	vld [tilespmem:s15+$0x50];
	[tilespmem:s15+$0x440] =	vst v12;
	v9 =	vmul.f32 $2.262741660e+01, v14  }
0x249: {  	v16 =	vld [tilespmem:s15+$0x60];
	[tilespmem:s15+$0x450] =	vst v17;
	v10 =	vmul.f32 $2.262741660e+01, v3  }
0x24a: {  	[tilespmem:s15+$0x460] =	vst v18;
	v3 =	vmul.f32 $2.262741660e+01, v19;
	v14 =	vld [tilespmem:s15+$0xC10]  }
0x24b: {  	s17 =	sadd.s32 $0x80, s17;
	v12 =	vmul.f32 $2.262741660e+01, v20;
	[tilespmem:s15+$0x470] =	vst v15;
	v15 =	vld [tilespmem:s15+$0xC30]  }
0x24c: {  	[tilespmem:s15+$0x800] =	vst v7  }
0x24d: {  	[tilespmem:s15+$0x810] =	vst v6  }
0x24e: {  	[tilespmem:s15+$0x820] =	vst v4  }
0x24f: {  	[tilespmem:s15+$0x830] =	vst v8  }
0x250: {  	[tilespmem:s15+$0x840] =	vst v5  }
0x251: {  	[tilespmem:s15+$0x850] =	vst v9  }
0x252: {  	[tilespmem:s15+$0x860] =	vst v10  }
0x253: {  	v56 =	vld [tilespmem:s15+$0xC60];
	v61 =	vmul.f32 $2.262741660e+01, v11;
	[tilespmem:s15+$0x870] =	vst v3  }
0x254: {  	v57 =	vld [tilespmem:s15+$0xC50];
	[tilespmem:s15+$0x40] =	vst v12;
	v60 =	vmul.f32 $2.262741660e+01, v13  }
0x255: {  	v59 =	vmul.f32 $2.262741660e+01, v16;
	[tilespmem:s15+$0xC00] =	vst v61  }
0x256: {  	s13 =	sadd.s32 $0x1, s13;
	[tilespmem:s15+$0x50] =	vst v60;
	v62 =	vmul.f32 $2.262741660e+01, v14  }
0x257: {  	p0 =	sne.s32 s13, $0x22;
	[tilespmem:s15+$0x60] =	vst v59;
	v63 =	vmul.f32 $2.262741660e+01, v15  }
.Ltmp9:
0x258: {  	s14 =	sshll.u32 s14, $0xF;
	v58 =	vmul.f32 $2.262741660e+01, v56;
	[tilespmem:s15+$0xC10] =	vst v62;
	(pc) =	sbr.rel @p0 .LBB2_2-.Ltmp9, $4  }
.Ltmp10:
0x259: {  	s14 =	sadd.s32 s5, s14;
	v4 =	vmul.f32 $2.262741660e+01, v57;
	[tilespmem:s15+$0xC30] =	vst v63;
	(pc) =	sbr.rel @!p0 .LBB2_16-.Ltmp10, $4  }
0x25a: {  	s14 =	sshrl.u32 s14, $0x3;
	[tilespmem:s15+$0xC60] =	vst v58  }
0x25b: {  	s14 =	sadd.s32 s3, s14;
	[tilespmem:s15+$0xC50] =	vst v4  }
0x25c: {  	[hbm4b:s14+s4] =	stream.linear.scatter [tilespmem:s31], [sflag:$0x6], $0x8000, $0x38;
	[tilespmem:$0x1B400] =	vst v63  }
0x25d: {  	_ = 	snop  }
.LBB2_17:
0x25e: {  	_ =	sfence.sel $0x180000  }
0x25f: {  	[bflag:$0x0] =	sbarrier.arrive $0xFFFF  }
0x260: {  	_ =	strace $0x90000047  }
0x261: {  	s0 =	stileid.u32;
	[bflag:$0x2] =	sbarrier.arrive $0xFFFF  }
0x262: {  	p0 =	sne.s32 s0, $0x0;
	s0 =	rddreg [dreg:$0x3]  }
0x263: {  	s0 =	sadd.s32 @!p0 $0x100000, s0  }
0x264: {  	[sflag:s0] =	ssyncadd.tile.s32 @!p0 $0x1;
	_ =	shalt  }
.Lfunc_end2:
_tile_overlayer_lowered:
.L_overlay_start_2:
0x265: {  	(tag) =	ssettag $0x2  }
0x266: {  	s0 =	rddreg [dreg:$0x0];
	s2 =	stileid.u32  }
0x267: {  	s1 =	rddreg [dreg:$0x1];
	p0 =	sne.s32 s2, $0x0  }
0x268: {  	s3 =	rddreg [dreg:$0x2];
	[bflag:$0x3] =	sbarrier.arrive $0xFFFF;
	s2 =	simm.s32 @!p0 $0x1C07  }
0x269: {  	[timem:s3], [sflag:s2] =	dma.local @!p0 [hbm:s0], s1  }
0x26a: {  	s0 =	simm.s32 @!p0 $0x7  }
0x26b: {  	_ =	swait.ge @!p0 [sflag:s0], s1  }
0x26c: {  	s1 =	ssub.s32 @!p0 $0x0, s1;
	[sflag:s0] =	ssyncset.done @!p0 $0x0  }
0x26d: {  	[sflag:s0] =	ssyncadd.s32 @!p0 s1  }
0x26e: {  	[bflag:$0x3] =	sbarrier.arrive $0xFFFF  }
0x26f: {  	_ =	shalt  }

</sc_bundles>
